<compile_context>
chip_gen: v7x
topology: tpu7x:2x2x1
jax: 0.10.2.dev20260603
libtpu: 0.0.44.dev20260713+nightly
codegen_flags: <defaults>
</compile_context>

<pallas_src>
import functools

import jax
import jax.numpy as jnp
from jax import lax
from jax.experimental import pallas as pl
from jax.experimental.pallas import tpu as pltpu
from jax.experimental.pallas import tpu_sc as plsc

N = 20000
BOX_D = 4
SCORE_D = 3
OUT_D = BOX_D + SCORE_D
THRESHOLD = 0.5

NUM_CORES = 2
NUM_SUBCORES = 16
LANES = 16

CHUNK = 640
TAIL = N - 31 * CHUNK
TAIL_BASE = 31 * CHUNK


def _mask_cols(bv, sv, ov, ncols):
    @plsc.parallel_loop(0, ncols // LANES, 1, unroll=4)
    def group(i):
        sl = pl.ds(i * LANES, LANES)
        keep = jnp.where(sv[0, sl] >= THRESHOLD, jnp.float32(1.0), jnp.float32(0.0))
        for c in range(BOX_D):
            ov[c, sl] = bv[c, sl] * keep
        for c in range(SCORE_D):
            ov[BOX_D + c, sl] = sv[c, sl] * keep


def _sc_body(bt_hbm, st_hbm, out_hbm, bv, sv, ov, bv_t, sv_t, ov_t, sem):
    wid = lax.axis_index("s") * NUM_CORES + lax.axis_index("c")

    @pl.when(wid < 31)
    def _main():
        base = wid * CHUNK
        b_cp = pltpu.async_copy(bt_hbm.at[:, pl.ds(base, CHUNK)], bv, sem)
        s_cp = pltpu.async_copy(st_hbm.at[:, pl.ds(base, CHUNK)], sv, sem)
        b_cp.wait()
        s_cp.wait()
        _mask_cols(bv, sv, ov, CHUNK)
        pltpu.sync_copy(ov, out_hbm.at[:, pl.ds(base, CHUNK)])

    @pl.when(wid == 31)
    def _tail():
        b_cp = pltpu.async_copy(bt_hbm.at[:, pl.ds(TAIL_BASE, TAIL)], bv_t, sem)
        s_cp = pltpu.async_copy(st_hbm.at[:, pl.ds(TAIL_BASE, TAIL)], sv_t, sem)
        b_cp.wait()
        s_cp.wait()
        _mask_cols(bv_t, sv_t, ov_t, TAIL)
        pltpu.sync_copy(ov_t, out_hbm.at[:, pl.ds(TAIL_BASE, TAIL)])


@jax.jit
def _run(bt, st):
    mesh = plsc.VectorSubcoreMesh(core_axis_name="c", subcore_axis_name="s")
    f = functools.partial(
        pl.kernel,
        out_type=jax.ShapeDtypeStruct((OUT_D, N), jnp.float32),
        mesh=mesh,
        scratch_types=[
            pltpu.VMEM((BOX_D, CHUNK), jnp.float32),
            pltpu.VMEM((SCORE_D, CHUNK), jnp.float32),
            pltpu.VMEM((OUT_D, CHUNK), jnp.float32),
            pltpu.VMEM((BOX_D, TAIL), jnp.float32),
            pltpu.VMEM((SCORE_D, TAIL), jnp.float32),
            pltpu.VMEM((OUT_D, TAIL), jnp.float32),
            pltpu.SemaphoreType.DMA,
        ],
        compiler_params=pltpu.CompilerParams(
            needs_layout_passes=False, use_tc_tiling_on_sc=True
        ),
    )(_sc_body)
    return f(bt, st)


def kernel(boxes, scores):
    out_t = _run(boxes.T, scores.T)
    return out_t.T

# --- scband reference (transcript-rebuilt; emitter-appended) ---
"""Pipeline reference for scband-not-enough-sleep-aimodel-3393024164622 (READ-ONLY COPY).

The authoritative reference and input builder live on the scoring server;
editing this copy changes nothing except your own understanding.
"""

import jax, jax.numpy as jnp
import numpy as np


def setup_inputs(seed: int = 0) -> dict:
    key = jax.random.key(seed)
    k1, k2 = jax.random.split(key)
    boxes = jax.random.uniform(k1, (20000, 4), dtype=jnp.float32)
    scores = jax.random.uniform(k2, (20000, 3), dtype=jnp.float32)
    return {"boxes": boxes, "scores": scores}


def reference(boxes, scores):
    # Faithful translation of NotEnoughSleepAIModel.NMS: threshold-based
    # suppression on the first class-score column. The original uses
    # dynamic boolean indexing (np.where); here we keep static shapes by
    # zero-masking suppressed boxes/scores (equivalent information, jit/vjp
    # friendly). threshold chosen at 0.5 so uniform scores keep ~half boxes.
    threshold = 0.5
    keep = (scores[:, 0] >= threshold).astype(boxes.dtype)
    filtered_boxes = boxes * keep[:, None]
    filtered_scores = scores * keep[:, None]
    return jnp.concatenate([filtered_boxes, filtered_scores], axis=1)

if __name__ == "__main__":
    import jax
    _d = setup_inputs()
    print(jax.jit(kernel)(*tuple(_d.values())))

</pallas_src>

<mosaic_0001>
#map = affine_map<(d0, d1) -> (0, 0)>
module attributes {stable_mosaic.version = 14 : i64} {
  func.func @_sc_body(%arg0: i32, %arg1: i32, %arg2: memref<4x20000xf32, #tpu.memory_space<hbm>>, %arg3: memref<3x20000xf32, #tpu.memory_space<hbm>>, %arg4: memref<7x20000xf32, #tpu.memory_space<hbm>>, %arg5: memref<4x640xf32, #tpu.memory_space<vmem>>, %arg6: memref<3x640xf32, #tpu.memory_space<vmem>>, %arg7: memref<7x640xf32, #tpu.memory_space<vmem>>, %arg8: memref<4x160xf32, #tpu.memory_space<vmem>>, %arg9: memref<3x160xf32, #tpu.memory_space<vmem>>, %arg10: memref<7x160xf32, #tpu.memory_space<vmem>>, %arg11: memref<!tpu.dma_semaphore, #tpu.memory_space<semaphore_mem>>) attributes {dimension_semantics = [#tpu.dimension_semantics<core_parallel>, #tpu.dimension_semantics<subcore_parallel>], iteration_bounds = array<i64: 2, 16>, scalar_prefetch = 0 : i64, scratch_operands = 7 : i64, tpu.core_type = #tpu.core_type<sc_vector_subcore>, window_params = [{transform_indices = #map}, {transform_indices = #map}, {transform_indices = #map}]} {
    %mul3A = arith.constant 2 : i32
    %mul3A_0 = arith.muli %arg1, %mul3A : i32
    %add3A = arith.addi %mul3A_0, %arg0 : i32
    %lt3A = arith.constant 31 : i32
    %lt3A_1 = arith.cmpi slt, %add3A, %lt3A : i32
    %convert_element_type3A = arith.extui %lt3A_1 : i1 to i32
    %cond3A = arith.constant 0 : i32
    %cond3A_2 = arith.cmpi ne, %convert_element_type3A, %cond3A : i32
    scf.if %cond3A_2 {
      %mul3A_7 = arith.constant 640 : i32
      %mul3A_8 = arith.muli %add3A, %mul3A_7 : i32
      %dma_start3A = arith.constant 0 : i32
      %dma_start3A_9 = tpu.memref_slice %arg2[%dma_start3A, %mul3A_8] : memref<4x20000xf32, #tpu.memory_space<hbm>> -> memref<4x640xf32, #tpu.memory_space<hbm>>
      %dma_start3A_10 = arith.constant 0 : i32
      %dma_start3A_11 = tpu.memref_slice %arg2[%dma_start3A_10, %mul3A_8] : memref<4x20000xf32, #tpu.memory_space<hbm>> -> memref<4x640xf32, #tpu.memory_space<hbm>>
      tpu.enqueue_dma source(%dma_start3A_11 : memref<4x640xf32, #tpu.memory_space<hbm>>) target(%arg5 : memref<4x640xf32, #tpu.memory_space<vmem>>) target_semaphore(%arg11 : memref<!tpu.dma_semaphore, #tpu.memory_space<semaphore_mem>>)
      %dma_start3A_12 = arith.constant 0 : i32
      %dma_start3A_13 = tpu.memref_slice %arg3[%dma_start3A_12, %mul3A_8] : memref<3x20000xf32, #tpu.memory_space<hbm>> -> memref<3x640xf32, #tpu.memory_space<hbm>>
      %dma_start3A_14 = arith.constant 0 : i32
      %dma_start3A_15 = tpu.memref_slice %arg3[%dma_start3A_14, %mul3A_8] : memref<3x20000xf32, #tpu.memory_space<hbm>> -> memref<3x640xf32, #tpu.memory_space<hbm>>
      tpu.enqueue_dma source(%dma_start3A_15 : memref<3x640xf32, #tpu.memory_space<hbm>>) target(%arg6 : memref<3x640xf32, #tpu.memory_space<vmem>>) target_semaphore(%arg11 : memref<!tpu.dma_semaphore, #tpu.memory_space<semaphore_mem>>)
      %dma_wait3A = arith.constant 0 : i32
      %dma_wait3A_16 = tpu.memref_slice %arg2[%dma_wait3A, %mul3A_8] : memref<4x20000xf32, #tpu.memory_space<hbm>> -> memref<4x640xf32, #tpu.memory_space<hbm>>
      %dma_wait3A_17 = arith.constant 0 : i32
      %dma_wait3A_18 = tpu.memref_slice %arg2[%dma_wait3A_17, %mul3A_8] : memref<4x20000xf32, #tpu.memory_space<hbm>> -> memref<4x640xf32, #tpu.memory_space<hbm>>
      tpu.wait_dma2 semaphore(%arg11 : memref<!tpu.dma_semaphore, #tpu.memory_space<semaphore_mem>>) src(%dma_wait3A_18 : memref<4x640xf32, #tpu.memory_space<hbm>>) dst(%arg5 : memref<4x640xf32, #tpu.memory_space<vmem>>)
      %dma_wait3A_19 = arith.constant 0 : i32
      %dma_wait3A_20 = tpu.memref_slice %arg3[%dma_wait3A_19, %mul3A_8] : memref<3x20000xf32, #tpu.memory_space<hbm>> -> memref<3x640xf32, #tpu.memory_space<hbm>>
      %dma_wait3A_21 = arith.constant 0 : i32
      %dma_wait3A_22 = tpu.memref_slice %arg3[%dma_wait3A_21, %mul3A_8] : memref<3x20000xf32, #tpu.memory_space<hbm>> -> memref<3x640xf32, #tpu.memory_space<hbm>>
      tpu.wait_dma2 semaphore(%arg11 : memref<!tpu.dma_semaphore, #tpu.memory_space<semaphore_mem>>) src(%dma_wait3A_22 : memref<3x640xf32, #tpu.memory_space<hbm>>) dst(%arg6 : memref<3x640xf32, #tpu.memory_space<vmem>>)
      %parallel_loop3A = arith.constant 0 : i32
      %parallel_loop3A_23 = arith.constant 40 : i32
      %parallel_loop3A_24 = arith.constant 1 : i32
      scf.for %parallel_loop3A_25 = %parallel_loop3A to %parallel_loop3A_23 step %parallel_loop3A_24  : i32 {
        %parallel_loop3A_26 = arith.constant 16 : i32
        %parallel_loop3A_27 = arith.muli %parallel_loop3A_25, %parallel_loop3A_26 : i32
        %parallel_loop3A_28 = arith.constant 0 : i32
        %parallel_loop3A_29 = arith.index_cast %parallel_loop3A_28 : i32 to index
        %parallel_loop3A_30 = arith.index_cast %parallel_loop3A_27 : i32 to index
        %parallel_loop3A_31 = tpu.vector_load %arg6[%parallel_loop3A_29, %parallel_loop3A_30] {strides = array<i32>} : memref<3x640xf32, #tpu.memory_space<vmem>>, vector<16xf32>,
        %parallel_loop3A_32 = arith.constant 5.000000e-01 : f32
        %parallel_loop3A_33 = vector.broadcast %parallel_loop3A_32 : f32 to vector<16xf32>
        %parallel_loop3A_34 = arith.cmpf oge, %parallel_loop3A_31, %parallel_loop3A_33 : vector<16xf32>
        %parallel_loop3A_35 = arith.constant 1.000000e+00 : f32
        %parallel_loop3A_36 = arith.constant 0.000000e+00 : f32
        %parallel_loop3A_37 = vector.broadcast %parallel_loop3A_35 : f32 to vector<16xf32>
        %parallel_loop3A_38 = vector.broadcast %parallel_loop3A_36 : f32 to vector<16xf32>
        %parallel_loop3A_39 = arith.select %parallel_loop3A_34, %parallel_loop3A_37, %parallel_loop3A_38 : vector<16xi1>, vector<16xf32>
        %parallel_loop3A_40 = arith.constant 0 : i32
        %parallel_loop3A_41 = arith.index_cast %parallel_loop3A_40 : i32 to index
        %parallel_loop3A_42 = arith.index_cast %parallel_loop3A_27 : i32 to index
        %parallel_loop3A_43 = tpu.vector_load %arg5[%parallel_loop3A_41, %parallel_loop3A_42] {strides = array<i32>} : memref<4x640xf32, #tpu.memory_space<vmem>>, vector<16xf32>,
        %parallel_loop3A_44 = arith.mulf %parallel_loop3A_43, %parallel_loop3A_39 : vector<16xf32>
        %parallel_loop3A_45 = arith.constant 0 : i32
        %parallel_loop3A_46 = arith.index_cast %parallel_loop3A_45 : i32 to index
        %parallel_loop3A_47 = arith.index_cast %parallel_loop3A_27 : i32 to index
        %parallel_loop3A_48 = tpu.vector_load %arg7[%parallel_loop3A_46, %parallel_loop3A_47] {strides = array<i32>} : memref<7x640xf32, #tpu.memory_space<vmem>>, vector<16xf32>,
        tpu.vector_store %arg7[%parallel_loop3A_46, %parallel_loop3A_47], %parallel_loop3A_44 {strides = array<i32>} : memref<7x640xf32, #tpu.memory_space<vmem>>, vector<16xf32>,
        %parallel_loop3A_49 = arith.constant 1 : i32
        %parallel_loop3A_50 = arith.index_cast %parallel_loop3A_49 : i32 to index
        %parallel_loop3A_51 = arith.index_cast %parallel_loop3A_27 : i32 to index
        %parallel_loop3A_52 = tpu.vector_load %arg5[%parallel_loop3A_50, %parallel_loop3A_51] {strides = array<i32>} : memref<4x640xf32, #tpu.memory_space<vmem>>, vector<16xf32>,
        %parallel_loop3A_53 = arith.mulf %parallel_loop3A_52, %parallel_loop3A_39 : vector<16xf32>
        %parallel_loop3A_54 = arith.constant 1 : i32
        %parallel_loop3A_55 = arith.index_cast %parallel_loop3A_54 : i32 to index
        %parallel_loop3A_56 = arith.index_cast %parallel_loop3A_27 : i32 to index
        %parallel_loop3A_57 = tpu.vector_load %arg7[%parallel_loop3A_55, %parallel_loop3A_56] {strides = array<i32>} : memref<7x640xf32, #tpu.memory_space<vmem>>, vector<16xf32>,
        tpu.vector_store %arg7[%parallel_loop3A_55, %parallel_loop3A_56], %parallel_loop3A_53 {strides = array<i32>} : memref<7x640xf32, #tpu.memory_space<vmem>>, vector<16xf32>,
        %parallel_loop3A_58 = arith.constant 2 : i32
        %parallel_loop3A_59 = arith.index_cast %parallel_loop3A_58 : i32 to index
        %parallel_loop3A_60 = arith.index_cast %parallel_loop3A_27 : i32 to index
        %parallel_loop3A_61 = tpu.vector_load %arg5[%parallel_loop3A_59, %parallel_loop3A_60] {strides = array<i32>} : memref<4x640xf32, #tpu.memory_space<vmem>>, vector<16xf32>,
        %parallel_loop3A_62 = arith.mulf %parallel_loop3A_61, %parallel_loop3A_39 : vector<16xf32>
        %parallel_loop3A_63 = arith.constant 2 : i32
        %parallel_loop3A_64 = arith.index_cast %parallel_loop3A_63 : i32 to index
        %parallel_loop3A_65 = arith.index_cast %parallel_loop3A_27 : i32 to index
        %parallel_loop3A_66 = tpu.vector_load %arg7[%parallel_loop3A_64, %parallel_loop3A_65] {strides = array<i32>} : memref<7x640xf32, #tpu.memory_space<vmem>>, vector<16xf32>,
        tpu.vector_store %arg7[%parallel_loop3A_64, %parallel_loop3A_65], %parallel_loop3A_62 {strides = array<i32>} : memref<7x640xf32, #tpu.memory_space<vmem>>, vector<16xf32>,
        %parallel_loop3A_67 = arith.constant 3 : i32
        %parallel_loop3A_68 = arith.index_cast %parallel_loop3A_67 : i32 to index
        %parallel_loop3A_69 = arith.index_cast %parallel_loop3A_27 : i32 to index
        %parallel_loop3A_70 = tpu.vector_load %arg5[%parallel_loop3A_68, %parallel_loop3A_69] {strides = array<i32>} : memref<4x640xf32, #tpu.memory_space<vmem>>, vector<16xf32>,
        %parallel_loop3A_71 = arith.mulf %parallel_loop3A_70, %parallel_loop3A_39 : vector<16xf32>
        %parallel_loop3A_72 = arith.constant 3 : i32
        %parallel_loop3A_73 = arith.index_cast %parallel_loop3A_72 : i32 to index
        %parallel_loop3A_74 = arith.index_cast %parallel_loop3A_27 : i32 to index
        %parallel_loop3A_75 = tpu.vector_load %arg7[%parallel_loop3A_73, %parallel_loop3A_74] {strides = array<i32>} : memref<7x640xf32, #tpu.memory_space<vmem>>, vector<16xf32>,
        tpu.vector_store %arg7[%parallel_loop3A_73, %parallel_loop3A_74], %parallel_loop3A_71 {strides = array<i32>} : memref<7x640xf32, #tpu.memory_space<vmem>>, vector<16xf32>,
        %parallel_loop3A_76 = arith.constant 0 : i32
        %parallel_loop3A_77 = arith.index_cast %parallel_loop3A_76 : i32 to index
        %parallel_loop3A_78 = arith.index_cast %parallel_loop3A_27 : i32 to index
        %parallel_loop3A_79 = tpu.vector_load %arg6[%parallel_loop3A_77, %parallel_loop3A_78] {strides = array<i32>} : memref<3x640xf32, #tpu.memory_space<vmem>>, vector<16xf32>,
        %parallel_loop3A_80 = arith.mulf %parallel_loop3A_79, %parallel_loop3A_39 : vector<16xf32>
        %parallel_loop3A_81 = arith.constant 4 : i32
        %parallel_loop3A_82 = arith.index_cast %parallel_loop3A_81 : i32 to index
        %parallel_loop3A_83 = arith.index_cast %parallel_loop3A_27 : i32 to index
        %parallel_loop3A_84 = tpu.vector_load %arg7[%parallel_loop3A_82, %parallel_loop3A_83] {strides = array<i32>} : memref<7x640xf32, #tpu.memory_space<vmem>>, vector<16xf32>,
        tpu.vector_store %arg7[%parallel_loop3A_82, %parallel_loop3A_83], %parallel_loop3A_80 {strides = array<i32>} : memref<7x640xf32, #tpu.memory_space<vmem>>, vector<16xf32>,
        %parallel_loop3A_85 = arith.constant 1 : i32
        %parallel_loop3A_86 = arith.index_cast %parallel_loop3A_85 : i32 to index
        %parallel_loop3A_87 = arith.index_cast %parallel_loop3A_27 : i32 to index
        %parallel_loop3A_88 = tpu.vector_load %arg6[%parallel_loop3A_86, %parallel_loop3A_87] {strides = array<i32>} : memref<3x640xf32, #tpu.memory_space<vmem>>, vector<16xf32>,
        %parallel_loop3A_89 = arith.mulf %parallel_loop3A_88, %parallel_loop3A_39 : vector<16xf32>
        %parallel_loop3A_90 = arith.constant 5 : i32
        %parallel_loop3A_91 = arith.index_cast %parallel_loop3A_90 : i32 to index
        %parallel_loop3A_92 = arith.index_cast %parallel_loop3A_27 : i32 to index
        %parallel_loop3A_93 = tpu.vector_load %arg7[%parallel_loop3A_91, %parallel_loop3A_92] {strides = array<i32>} : memref<7x640xf32, #tpu.memory_space<vmem>>, vector<16xf32>,
        tpu.vector_store %arg7[%parallel_loop3A_91, %parallel_loop3A_92], %parallel_loop3A_89 {strides = array<i32>} : memref<7x640xf32, #tpu.memory_space<vmem>>, vector<16xf32>,
        %parallel_loop3A_94 = arith.constant 2 : i32
        %parallel_loop3A_95 = arith.index_cast %parallel_loop3A_94 : i32 to index
        %parallel_loop3A_96 = arith.index_cast %parallel_loop3A_27 : i32 to index
        %parallel_loop3A_97 = tpu.vector_load %arg6[%parallel_loop3A_95, %parallel_loop3A_96] {strides = array<i32>} : memref<3x640xf32, #tpu.memory_space<vmem>>, vector<16xf32>,
        %parallel_loop3A_98 = arith.mulf %parallel_loop3A_97, %parallel_loop3A_39 : vector<16xf32>
        %parallel_loop3A_99 = arith.constant 6 : i32
        %parallel_loop3A_100 = arith.index_cast %parallel_loop3A_99 : i32 to index
        %parallel_loop3A_101 = arith.index_cast %parallel_loop3A_27 : i32 to index
        %parallel_loop3A_102 = tpu.vector_load %arg7[%parallel_loop3A_100, %parallel_loop3A_101] {strides = array<i32>} : memref<7x640xf32, #tpu.memory_space<vmem>>, vector<16xf32>,
        tpu.vector_store %arg7[%parallel_loop3A_100, %parallel_loop3A_101], %parallel_loop3A_98 {strides = array<i32>} : memref<7x640xf32, #tpu.memory_space<vmem>>, vector<16xf32>,
      } {sc.loop_unroll_factor = 4 : i64, sc.parallel_access}
      "tpu.region"() ({
        %run_scoped3A = tpu.sem_alloc : memref<!tpu.dma_semaphore, #tpu.memory_space<semaphore_mem>>
        %dma_start3A_25 = arith.constant 0 : i32
        %dma_start3A_26 = tpu.memref_slice %arg4[%dma_start3A_25, %mul3A_8] : memref<7x20000xf32, #tpu.memory_space<hbm>> -> memref<7x640xf32, #tpu.memory_space<hbm>>
        %dma_start3A_27 = arith.constant 0 : i32
        %dma_start3A_28 = tpu.memref_slice %arg4[%dma_start3A_27, %mul3A_8] : memref<7x20000xf32, #tpu.memory_space<hbm>> -> memref<7x640xf32, #tpu.memory_space<hbm>>
        tpu.enqueue_dma source(%arg7 : memref<7x640xf32, #tpu.memory_space<vmem>>) target(%dma_start3A_28 : memref<7x640xf32, #tpu.memory_space<hbm>>) target_semaphore(%run_scoped3A : memref<!tpu.dma_semaphore, #tpu.memory_space<semaphore_mem>>)
        %dma_wait3A_29 = arith.constant 0 : i32
        %dma_wait3A_30 = tpu.memref_slice %arg4[%dma_wait3A_29, %mul3A_8] : memref<7x20000xf32, #tpu.memory_space<hbm>> -> memref<7x640xf32, #tpu.memory_space<hbm>>
        %dma_wait3A_31 = arith.constant 0 : i32
        %dma_wait3A_32 = tpu.memref_slice %arg4[%dma_wait3A_31, %mul3A_8] : memref<7x20000xf32, #tpu.memory_space<hbm>> -> memref<7x640xf32, #tpu.memory_space<hbm>>
        tpu.wait_dma2 semaphore(%run_scoped3A : memref<!tpu.dma_semaphore, #tpu.memory_space<semaphore_mem>>) src(%arg7 : memref<7x640xf32, #tpu.memory_space<vmem>>) dst(%dma_wait3A_32 : memref<7x640xf32, #tpu.memory_space<hbm>>)
        tpu.yield
      }) : () -> ()
    } else {
    }
    %eq3A = arith.constant 31 : i32
    %eq3A_3 = arith.cmpi eq, %add3A, %eq3A : i32
    %convert_element_type3A_4 = arith.extui %eq3A_3 : i1 to i32
    %cond3A_5 = arith.constant 0 : i32
    %cond3A_6 = arith.cmpi ne, %convert_element_type3A_4, %cond3A_5 : i32
    scf.if %cond3A_6 {
      %dma_start3A = arith.constant 0 : i32
      %dma_start3A_7 = arith.constant 19840 : i32
      %dma_start3A_8 = tpu.memref_slice %arg2[%dma_start3A, %dma_start3A_7] : memref<4x20000xf32, #tpu.memory_space<hbm>> -> memref<4x160xf32, #tpu.memory_space<hbm>>
      %dma_start3A_9 = arith.constant 0 : i32
      %dma_start3A_10 = arith.constant 19840 : i32
      %dma_start3A_11 = tpu.memref_slice %arg2[%dma_start3A_9, %dma_start3A_10] : memref<4x20000xf32, #tpu.memory_space<hbm>> -> memref<4x160xf32, #tpu.memory_space<hbm>>
      tpu.enqueue_dma source(%dma_start3A_11 : memref<4x160xf32, #tpu.memory_space<hbm>>) target(%arg8 : memref<4x160xf32, #tpu.memory_space<vmem>>) target_semaphore(%arg11 : memref<!tpu.dma_semaphore, #tpu.memory_space<semaphore_mem>>)
      %dma_start3A_12 = arith.constant 0 : i32
      %dma_start3A_13 = arith.constant 19840 : i32
      %dma_start3A_14 = tpu.memref_slice %arg3[%dma_start3A_12, %dma_start3A_13] : memref<3x20000xf32, #tpu.memory_space<hbm>> -> memref<3x160xf32, #tpu.memory_space<hbm>>
      %dma_start3A_15 = arith.constant 0 : i32
      %dma_start3A_16 = arith.constant 19840 : i32
      %dma_start3A_17 = tpu.memref_slice %arg3[%dma_start3A_15, %dma_start3A_16] : memref<3x20000xf32, #tpu.memory_space<hbm>> -> memref<3x160xf32, #tpu.memory_space<hbm>>
      tpu.enqueue_dma source(%dma_start3A_17 : memref<3x160xf32, #tpu.memory_space<hbm>>) target(%arg9 : memref<3x160xf32, #tpu.memory_space<vmem>>) target_semaphore(%arg11 : memref<!tpu.dma_semaphore, #tpu.memory_space<semaphore_mem>>)
      %dma_wait3A = arith.constant 0 : i32
      %dma_wait3A_18 = arith.constant 19840 : i32
      %dma_wait3A_19 = tpu.memref_slice %arg2[%dma_wait3A, %dma_wait3A_18] : memref<4x20000xf32, #tpu.memory_space<hbm>> -> memref<4x160xf32, #tpu.memory_space<hbm>>
      %dma_wait3A_20 = arith.constant 0 : i32
      %dma_wait3A_21 = arith.constant 19840 : i32
      %dma_wait3A_22 = tpu.memref_slice %arg2[%dma_wait3A_20, %dma_wait3A_21] : memref<4x20000xf32, #tpu.memory_space<hbm>> -> memref<4x160xf32, #tpu.memory_space<hbm>>
      tpu.wait_dma2 semaphore(%arg11 : memref<!tpu.dma_semaphore, #tpu.memory_space<semaphore_mem>>) src(%dma_wait3A_22 : memref<4x160xf32, #tpu.memory_space<hbm>>) dst(%arg8 : memref<4x160xf32, #tpu.memory_space<vmem>>)
      %dma_wait3A_23 = arith.constant 0 : i32
      %dma_wait3A_24 = arith.constant 19840 : i32
      %dma_wait3A_25 = tpu.memref_slice %arg3[%dma_wait3A_23, %dma_wait3A_24] : memref<3x20000xf32, #tpu.memory_space<hbm>> -> memref<3x160xf32, #tpu.memory_space<hbm>>
      %dma_wait3A_26 = arith.constant 0 : i32
      %dma_wait3A_27 = arith.constant 19840 : i32
      %dma_wait3A_28 = tpu.memref_slice %arg3[%dma_wait3A_26, %dma_wait3A_27] : memref<3x20000xf32, #tpu.memory_space<hbm>> -> memref<3x160xf32, #tpu.memory_space<hbm>>
      tpu.wait_dma2 semaphore(%arg11 : memref<!tpu.dma_semaphore, #tpu.memory_space<semaphore_mem>>) src(%dma_wait3A_28 : memref<3x160xf32, #tpu.memory_space<hbm>>) dst(%arg9 : memref<3x160xf32, #tpu.memory_space<vmem>>)
      %parallel_loop3A = arith.constant 0 : i32
      %parallel_loop3A_29 = arith.constant 10 : i32
      %parallel_loop3A_30 = arith.constant 1 : i32
      scf.for %parallel_loop3A_31 = %parallel_loop3A to %parallel_loop3A_29 step %parallel_loop3A_30  : i32 {
        %parallel_loop3A_32 = arith.constant 16 : i32
        %parallel_loop3A_33 = arith.muli %parallel_loop3A_31, %parallel_loop3A_32 : i32
        %parallel_loop3A_34 = arith.constant 0 : i32
        %parallel_loop3A_35 = arith.index_cast %parallel_loop3A_34 : i32 to index
        %parallel_loop3A_36 = arith.index_cast %parallel_loop3A_33 : i32 to index
        %parallel_loop3A_37 = tpu.vector_load %arg9[%parallel_loop3A_35, %parallel_loop3A_36] {strides = array<i32>} : memref<3x160xf32, #tpu.memory_space<vmem>>, vector<16xf32>,
        %parallel_loop3A_38 = arith.constant 5.000000e-01 : f32
        %parallel_loop3A_39 = vector.broadcast %parallel_loop3A_38 : f32 to vector<16xf32>
        %parallel_loop3A_40 = arith.cmpf oge, %parallel_loop3A_37, %parallel_loop3A_39 : vector<16xf32>
        %parallel_loop3A_41 = arith.constant 1.000000e+00 : f32
        %parallel_loop3A_42 = arith.constant 0.000000e+00 : f32
        %parallel_loop3A_43 = vector.broadcast %parallel_loop3A_41 : f32 to vector<16xf32>
        %parallel_loop3A_44 = vector.broadcast %parallel_loop3A_42 : f32 to vector<16xf32>
        %parallel_loop3A_45 = arith.select %parallel_loop3A_40, %parallel_loop3A_43, %parallel_loop3A_44 : vector<16xi1>, vector<16xf32>
        %parallel_loop3A_46 = arith.constant 0 : i32
        %parallel_loop3A_47 = arith.index_cast %parallel_loop3A_46 : i32 to index
        %parallel_loop3A_48 = arith.index_cast %parallel_loop3A_33 : i32 to index
        %parallel_loop3A_49 = tpu.vector_load %arg8[%parallel_loop3A_47, %parallel_loop3A_48] {strides = array<i32>} : memref<4x160xf32, #tpu.memory_space<vmem>>, vector<16xf32>,
        %parallel_loop3A_50 = arith.mulf %parallel_loop3A_49, %parallel_loop3A_45 : vector<16xf32>
        %parallel_loop3A_51 = arith.constant 0 : i32
        %parallel_loop3A_52 = arith.index_cast %parallel_loop3A_51 : i32 to index
        %parallel_loop3A_53 = arith.index_cast %parallel_loop3A_33 : i32 to index
        %parallel_loop3A_54 = tpu.vector_load %arg10[%parallel_loop3A_52, %parallel_loop3A_53] {strides = array<i32>} : memref<7x160xf32, #tpu.memory_space<vmem>>, vector<16xf32>,
        tpu.vector_store %arg10[%parallel_loop3A_52, %parallel_loop3A_53], %parallel_loop3A_50 {strides = array<i32>} : memref<7x160xf32, #tpu.memory_space<vmem>>, vector<16xf32>,
        %parallel_loop3A_55 = arith.constant 1 : i32
        %parallel_loop3A_56 = arith.index_cast %parallel_loop3A_55 : i32 to index
        %parallel_loop3A_57 = arith.index_cast %parallel_loop3A_33 : i32 to index
        %parallel_loop3A_58 = tpu.vector_load %arg8[%parallel_loop3A_56, %parallel_loop3A_57] {strides = array<i32>} : memref<4x160xf32, #tpu.memory_space<vmem>>, vector<16xf32>,
        %parallel_loop3A_59 = arith.mulf %parallel_loop3A_58, %parallel_loop3A_45 : vector<16xf32>
        %parallel_loop3A_60 = arith.constant 1 : i32
        %parallel_loop3A_61 = arith.index_cast %parallel_loop3A_60 : i32 to index
        %parallel_loop3A_62 = arith.index_cast %parallel_loop3A_33 : i32 to index
        %parallel_loop3A_63 = tpu.vector_load %arg10[%parallel_loop3A_61, %parallel_loop3A_62] {strides = array<i32>} : memref<7x160xf32, #tpu.memory_space<vmem>>, vector<16xf32>,
        tpu.vector_store %arg10[%parallel_loop3A_61, %parallel_loop3A_62], %parallel_loop3A_59 {strides = array<i32>} : memref<7x160xf32, #tpu.memory_space<vmem>>, vector<16xf32>,
        %parallel_loop3A_64 = arith.constant 2 : i32
        %parallel_loop3A_65 = arith.index_cast %parallel_loop3A_64 : i32 to index
        %parallel_loop3A_66 = arith.index_cast %parallel_loop3A_33 : i32 to index
        %parallel_loop3A_67 = tpu.vector_load %arg8[%parallel_loop3A_65, %parallel_loop3A_66] {strides = array<i32>} : memref<4x160xf32, #tpu.memory_space<vmem>>, vector<16xf32>,
        %parallel_loop3A_68 = arith.mulf %parallel_loop3A_67, %parallel_loop3A_45 : vector<16xf32>
        %parallel_loop3A_69 = arith.constant 2 : i32
        %parallel_loop3A_70 = arith.index_cast %parallel_loop3A_69 : i32 to index
        %parallel_loop3A_71 = arith.index_cast %parallel_loop3A_33 : i32 to index
        %parallel_loop3A_72 = tpu.vector_load %arg10[%parallel_loop3A_70, %parallel_loop3A_71] {strides = array<i32>} : memref<7x160xf32, #tpu.memory_space<vmem>>, vector<16xf32>,
        tpu.vector_store %arg10[%parallel_loop3A_70, %parallel_loop3A_71], %parallel_loop3A_68 {strides = array<i32>} : memref<7x160xf32, #tpu.memory_space<vmem>>, vector<16xf32>,
        %parallel_loop3A_73 = arith.constant 3 : i32
        %parallel_loop3A_74 = arith.index_cast %parallel_loop3A_73 : i32 to index
        %parallel_loop3A_75 = arith.index_cast %parallel_loop3A_33 : i32 to index
        %parallel_loop3A_76 = tpu.vector_load %arg8[%parallel_loop3A_74, %parallel_loop3A_75] {strides = array<i32>} : memref<4x160xf32, #tpu.memory_space<vmem>>, vector<16xf32>,
        %parallel_loop3A_77 = arith.mulf %parallel_loop3A_76, %parallel_loop3A_45 : vector<16xf32>
        %parallel_loop3A_78 = arith.constant 3 : i32
        %parallel_loop3A_79 = arith.index_cast %parallel_loop3A_78 : i32 to index
        %parallel_loop3A_80 = arith.index_cast %parallel_loop3A_33 : i32 to index
        %parallel_loop3A_81 = tpu.vector_load %arg10[%parallel_loop3A_79, %parallel_loop3A_80] {strides = array<i32>} : memref<7x160xf32, #tpu.memory_space<vmem>>, vector<16xf32>,
        tpu.vector_store %arg10[%parallel_loop3A_79, %parallel_loop3A_80], %parallel_loop3A_77 {strides = array<i32>} : memref<7x160xf32, #tpu.memory_space<vmem>>, vector<16xf32>,
        %parallel_loop3A_82 = arith.constant 0 : i32
        %parallel_loop3A_83 = arith.index_cast %parallel_loop3A_82 : i32 to index
        %parallel_loop3A_84 = arith.index_cast %parallel_loop3A_33 : i32 to index
        %parallel_loop3A_85 = tpu.vector_load %arg9[%parallel_loop3A_83, %parallel_loop3A_84] {strides = array<i32>} : memref<3x160xf32, #tpu.memory_space<vmem>>, vector<16xf32>,
        %parallel_loop3A_86 = arith.mulf %parallel_loop3A_85, %parallel_loop3A_45 : vector<16xf32>
        %parallel_loop3A_87 = arith.constant 4 : i32
        %parallel_loop3A_88 = arith.index_cast %parallel_loop3A_87 : i32 to index
        %parallel_loop3A_89 = arith.index_cast %parallel_loop3A_33 : i32 to index
        %parallel_loop3A_90 = tpu.vector_load %arg10[%parallel_loop3A_88, %parallel_loop3A_89] {strides = array<i32>} : memref<7x160xf32, #tpu.memory_space<vmem>>, vector<16xf32>,
        tpu.vector_store %arg10[%parallel_loop3A_88, %parallel_loop3A_89], %parallel_loop3A_86 {strides = array<i32>} : memref<7x160xf32, #tpu.memory_space<vmem>>, vector<16xf32>,
        %parallel_loop3A_91 = arith.constant 1 : i32
        %parallel_loop3A_92 = arith.index_cast %parallel_loop3A_91 : i32 to index
        %parallel_loop3A_93 = arith.index_cast %parallel_loop3A_33 : i32 to index
        %parallel_loop3A_94 = tpu.vector_load %arg9[%parallel_loop3A_92, %parallel_loop3A_93] {strides = array<i32>} : memref<3x160xf32, #tpu.memory_space<vmem>>, vector<16xf32>,
        %parallel_loop3A_95 = arith.mulf %parallel_loop3A_94, %parallel_loop3A_45 : vector<16xf32>
        %parallel_loop3A_96 = arith.constant 5 : i32
        %parallel_loop3A_97 = arith.index_cast %parallel_loop3A_96 : i32 to index
        %parallel_loop3A_98 = arith.index_cast %parallel_loop3A_33 : i32 to index
        %parallel_loop3A_99 = tpu.vector_load %arg10[%parallel_loop3A_97, %parallel_loop3A_98] {strides = array<i32>} : memref<7x160xf32, #tpu.memory_space<vmem>>, vector<16xf32>,
        tpu.vector_store %arg10[%parallel_loop3A_97, %parallel_loop3A_98], %parallel_loop3A_95 {strides = array<i32>} : memref<7x160xf32, #tpu.memory_space<vmem>>, vector<16xf32>,
        %parallel_loop3A_100 = arith.constant 2 : i32
        %parallel_loop3A_101 = arith.index_cast %parallel_loop3A_100 : i32 to index
        %parallel_loop3A_102 = arith.index_cast %parallel_loop3A_33 : i32 to index
        %parallel_loop3A_103 = tpu.vector_load %arg9[%parallel_loop3A_101, %parallel_loop3A_102] {strides = array<i32>} : memref<3x160xf32, #tpu.memory_space<vmem>>, vector<16xf32>,
        %parallel_loop3A_104 = arith.mulf %parallel_loop3A_103, %parallel_loop3A_45 : vector<16xf32>
        %parallel_loop3A_105 = arith.constant 6 : i32
        %parallel_loop3A_106 = arith.index_cast %parallel_loop3A_105 : i32 to index
        %parallel_loop3A_107 = arith.index_cast %parallel_loop3A_33 : i32 to index
        %parallel_loop3A_108 = tpu.vector_load %arg10[%parallel_loop3A_106, %parallel_loop3A_107] {strides = array<i32>} : memref<7x160xf32, #tpu.memory_space<vmem>>, vector<16xf32>,
        tpu.vector_store %arg10[%parallel_loop3A_106, %parallel_loop3A_107], %parallel_loop3A_104 {strides = array<i32>} : memref<7x160xf32, #tpu.memory_space<vmem>>, vector<16xf32>,
      } {sc.loop_unroll_factor = 4 : i64, sc.parallel_access}
      "tpu.region"() ({
        %run_scoped3A = tpu.sem_alloc : memref<!tpu.dma_semaphore, #tpu.memory_space<semaphore_mem>>
        %dma_start3A_31 = arith.constant 0 : i32
        %dma_start3A_32 = arith.constant 19840 : i32
        %dma_start3A_33 = tpu.memref_slice %arg4[%dma_start3A_31, %dma_start3A_32] : memref<7x20000xf32, #tpu.memory_space<hbm>> -> memref<7x160xf32, #tpu.memory_space<hbm>>
        %dma_start3A_34 = arith.constant 0 : i32
        %dma_start3A_35 = arith.constant 19840 : i32
        %dma_start3A_36 = tpu.memref_slice %arg4[%dma_start3A_34, %dma_start3A_35] : memref<7x20000xf32, #tpu.memory_space<hbm>> -> memref<7x160xf32, #tpu.memory_space<hbm>>
        tpu.enqueue_dma source(%arg10 : memref<7x160xf32, #tpu.memory_space<vmem>>) target(%dma_start3A_36 : memref<7x160xf32, #tpu.memory_space<hbm>>) target_semaphore(%run_scoped3A : memref<!tpu.dma_semaphore, #tpu.memory_space<semaphore_mem>>)
        %dma_wait3A_37 = arith.constant 0 : i32
        %dma_wait3A_38 = arith.constant 19840 : i32
        %dma_wait3A_39 = tpu.memref_slice %arg4[%dma_wait3A_37, %dma_wait3A_38] : memref<7x20000xf32, #tpu.memory_space<hbm>> -> memref<7x160xf32, #tpu.memory_space<hbm>>
        %dma_wait3A_40 = arith.constant 0 : i32
        %dma_wait3A_41 = arith.constant 19840 : i32
        %dma_wait3A_42 = tpu.memref_slice %arg4[%dma_wait3A_40, %dma_wait3A_41] : memref<7x20000xf32, #tpu.memory_space<hbm>> -> memref<7x160xf32, #tpu.memory_space<hbm>>
        tpu.wait_dma2 semaphore(%run_scoped3A : memref<!tpu.dma_semaphore, #tpu.memory_space<semaphore_mem>>) src(%arg10 : memref<7x160xf32, #tpu.memory_space<vmem>>) dst(%dma_wait3A_42 : memref<7x160xf32, #tpu.memory_space<hbm>>)
        tpu.yield
      }) : () -> ()
    } else {
    }
    return
  }
}

</mosaic_0001>

<sc_bundles>
// kernel: _run.3.cloned.1.call-start
scs
__scs_entry_jumppad:
0x0: {  	(pc) =	sbr.rel $0x88, $3  }
0x1: {  	(tag) =	ssettag $0x0;
	lr =	simm.s32 $0x1  }
0x2: {  	[smem:$0x3F9F] =	sst lr;
	_ =	strace $0xD0000000  }
0x3: {  	_ = 	snop  }
0x4: {  	_ = 	snop  }
0x5: {  	_ = 	snop  }
0x6: {  	_ = 	snop  }
0x7: {  	_ = 	snop  }
__scs_overlays_trampoline_lowered:
0x8: {  	[smem:$0x3FAE] =	sst s0  }
0x9: {  	[smem:$0x3FAF] =	sst s1  }
0xa: {  	[smem:$0x3FB0] =	sst s2  }
0xb: {  	[smem:$0x3FB1] =	sst s3  }
0xc: {  	[smem:$0x3FB2] =	sst s4  }
0xd: {  	[smem:$0x3FB3] =	sst s5  }
0xe: {  	[smem:$0x3FB4] =	sst s6  }
0xf: {  	[smem:$0x3FB5] =	sst s7  }
0x10: {  	[smem:$0x3FB6] =	sst s8  }
0x11: {  	[smem:$0x3FB7] =	sst s9;
	s0 =	simm.s32 @!p0 $0x0  }
0x12: {  	s1 =	sld [smem:$0x3F9D];
	s0 =	simm.s32 @p0 $0x1  }
0x13: {  	[smem:$0x3FB8] =	sst s0;
	s0 =	simm.s32 @!p1 $0x0  }
0x14: {  	s2 =	sld [smem:$0x3F9C];
	s0 =	simm.s32 @p1 $0x1  }
0x15: {  	[smem:$0x3FB9] =	sst s0;
	s0 =	simm.s32 @!p2 $0x0  }
0x16: {  	s3 =	sld [smem:$0x3FDB];
	s0 =	simm.s32 @p2 $0x1  }
0x17: {  	s4 =	simm.s32 $0x1BF5;
	[smem:$0x3FBB] =	sst s0  }
0x18: {  	s0 =	sld [smem:$0x3F9E];
	_ =	swait.ge [sflag:s4], $0x0  }
0x19: {  	s7 =	sld [smem:$0x3F9F]  }
0x1a: {  	s8 =	sadd.s32 $0xFFFFE003, lr  }
0x1b: {  	s9 =	sadd.s32 $0xFFFFFEF7, lr;
	s5 =	simm.s32 $0xFFFFFFFF;
	p2 =	slt.u32 s8, $0xFFFFF086  }
0x1c: {  	p1 =	slt.u32 s9, $0xF7A;
	s5 =	simm.s32 @!p2 $0x0  }
0x1d: {  	s5 =	simm.s32 @p1 $0x1;
	p0 =	seq.s32 s7, s2  }
0x1e: {  	s7 =	smul.u32 @!p0 $0xF7A, s2;
	p2 =	seq.s32 @!p0 s5, $0x0  }
0x1f: {  	s9 =	smul.u32 $0xF7A, s1;
	s8 =	simm.s32 @!p0 $0x1BF5;
	p2 =	por !p2, p0  }
0x20: {  	[sflag:s8] =	ssyncset.s32 @!p0 $0xFFFFF086;
	s6 =	sadd.s32 @!p0 s3, s7;
	s7 =	simm.s32 @!p0 $0x108  }
0x21: {  	s3 =	sadd.s32 s3, s9;
	s6 =	sadd.s32 @!p0 $0x88, s6;
	s7 =	simm.s32 @p2 $0x1082  }
0x22: {  	[simem:s7], [sflag:s8] =	dma.local @!p0 [hbm:s6], $0xF7A  }
0x23: {  	s9 =	sor.u32 $0xD0000000, s2;
	s6 =	simm.s32 $0x108;
	_ =	swait.ge @!p0 [sflag:s8], $0x0  }
0x24: {  	s3 =	sadd.s32 $0x88, s3;
	s6 =	simm.s32 @!p1 $0x1082;
	[sflag:s4] =	ssyncset.s32 $0xFFFFF086  }
0x25: {  	[simem:s6], [sflag:s4] =	dma.local [hbm:s3], $0xF7A  }
0x26: {  	[smem:$0x3F9F] =	sst s1;
	(tag) =	ssettag s2;
	_ =	strace s9  }
0x27: {  	s1 =	sld [smem:$0x3FAF]  }
0x28: {  	s2 =	sld [smem:$0x3FB0]  }
0x29: {  	s4 =	sld [smem:$0x3FB2]  }
0x2a: {  	p0 =	seq.s32 s5, $0x0;
	s5 =	sld [smem:$0x3FB3]  }
0x2b: {  	s6 =	sld [smem:$0x3FB4]  }
0x2c: {  	s7 =	sld [smem:$0x3FB5]  }
0x2d: {  	s3 =	simm.s32 $0x108;
	s8 =	sld [smem:$0x3FB6]  }
0x2e: {  	s3 =	simm.s32 @!p0 $0x1082;
	s9 =	sld [smem:$0x3FB7]  }
0x2f: {  	lr =	sadd.s32 s0, s3;
	s0 =	sld [smem:$0x3FAE]  }
0x30: {  	s3 =	sld [smem:$0x3FB1]  }
0x31: {  	[smem:$0x3FBA] =	sst s10  }
0x32: {  	s10 =	sld [smem:$0x3FB8];
	_ =	sdelay $0x3  }
0x33: {  	p0 =	seq.s32 s10, $0x1;
	s10 =	sld [smem:$0x3FBA];
	_ =	sdelay $0x3  }
0x34: {  	[smem:$0x3FBA] =	sst s10  }
0x35: {  	s10 =	sld [smem:$0x3FB9];
	_ =	sdelay $0x3  }
0x36: {  	p1 =	seq.s32 s10, $0x1;
	s10 =	sld [smem:$0x3FBA];
	_ =	sdelay $0x3  }
0x37: {  	[smem:$0x3FBA] =	sst s10  }
0x38: {  	s10 =	sld [smem:$0x3FBB]  }
0x39: {  	_ = 	snop;
	(pc) =	sbr.ind lr, $3  }
0x3a: {  	_ = 	snop  }
0x3b: {  	_ = 	snop  }
0x3c: {  	p2 =	seq.s32 s10, $0x1;
	s10 =	sld [smem:$0x3FBA]  }
0x3d: {  	_ =	shalt  }
0x3e: {  	_ =	shalt  }
0x3f: {  	_ =	shalt  }
0x40: {  	_ =	shalt  }
0x41: {  	_ =	shalt  }
0x42: {  	_ =	shalt  }
0x43: {  	_ =	shalt  }
0x44: {  	_ =	shalt  }
0x45: {  	_ =	shalt  }
0x46: {  	_ =	shalt  }
0x47: {  	_ =	shalt  }
0x48: {  	_ =	shalt  }
0x49: {  	_ =	shalt  }
0x4a: {  	_ =	shalt  }
0x4b: {  	_ =	shalt  }
0x4c: {  	_ =	shalt  }
0x4d: {  	_ =	shalt  }
0x4e: {  	_ =	shalt  }
0x4f: {  	_ =	shalt  }
0x50: {  	_ =	shalt  }
0x51: {  	_ =	shalt  }
0x52: {  	_ =	shalt  }
0x53: {  	_ =	shalt  }
0x54: {  	_ =	shalt  }
0x55: {  	_ =	shalt  }
0x56: {  	_ =	shalt  }
0x57: {  	_ =	shalt  }
0x58: {  	_ =	shalt  }
0x59: {  	_ =	shalt  }
0x5a: {  	_ =	shalt  }
0x5b: {  	_ =	shalt  }
0x5c: {  	_ =	shalt  }
0x5d: {  	_ =	shalt  }
0x5e: {  	_ =	shalt  }
0x5f: {  	_ =	shalt  }
0x60: {  	_ =	shalt  }
0x61: {  	_ =	shalt  }
0x62: {  	_ =	shalt  }
0x63: {  	_ =	shalt  }
0x64: {  	_ =	shalt  }
0x65: {  	_ =	shalt  }
0x66: {  	_ =	shalt  }
0x67: {  	_ =	shalt  }
0x68: {  	_ =	shalt  }
0x69: {  	_ =	shalt  }
0x6a: {  	_ =	shalt  }
0x6b: {  	_ =	shalt  }
0x6c: {  	_ =	shalt  }
0x6d: {  	_ =	shalt  }
0x6e: {  	_ =	shalt  }
0x6f: {  	_ =	shalt  }
0x70: {  	_ =	shalt  }
0x71: {  	_ =	shalt  }
0x72: {  	_ =	shalt  }
0x73: {  	_ =	shalt  }
0x74: {  	_ =	shalt  }
0x75: {  	_ =	shalt  }
0x76: {  	_ =	shalt  }
0x77: {  	_ =	shalt  }
0x78: {  	_ =	shalt  }
0x79: {  	_ =	shalt  }
0x7a: {  	_ =	shalt  }
0x7b: {  	_ =	shalt  }
0x7c: {  	_ =	shalt  }
0x7d: {  	_ =	shalt  }
0x7e: {  	_ =	shalt  }
0x7f: {  	_ =	shalt  }
0x80: {  	_ =	shalt  }
0x81: {  	_ =	shalt  }
0x82: {  	_ =	shalt  }
0x83: {  	_ =	shalt  }
0x84: {  	_ =	shalt  }
0x85: {  	_ =	shalt  }
0x86: {  	_ =	shalt  }
0x87: {  	_ =	shalt  }
.Lfunc_end0:
.L_simem_size_0:
called_computation_lowered:
.L_overlay_start_0:
0x88: {  	s2 =	sld [smem:$0x3FD9]  }
0x89: {  	s3 =	sld [smem:$0x3FFE];
	_ =	sdelay $0x1  }
0x8a: {  	s1 =	srdreg.scid  }
0x8b: {  	s0 =	sand.u32 $0x1, s1  }
0x8c: {  	s18 =	sshll.u32 s0, $0xA;
	s2 =	sadd.s32 s3, s2  }
0x8d: {  	s2 =	sadd.s32 s2, s18  }
0x8e: {  	[smem:$0x3FC6] =	sst s2  }
0x8f: {  	_ = 	snop  }
0x90: {  	s2 =	sld [smem:$0x3FC9]  }
0x91: {  	s19 =	sld [smem:$0x3FC8]  }
0x92: {  	s4 =	sld [smem:$0x3FD0];
	(tm) =	ssettm $0x1  }
0x93: {  	s5 =	sld [smem:$0x3FFB];
	_ =	sdelay $0x3  }
0x94: {  	_ =	strace s5  }
0x95: {  	s5 =	sld [smem:$0x3FFC];
	_ =	sdelay $0x3  }
0x96: {  	_ =	strace s5  }
0x97: {  	s5 =	sld [smem:$0x3FFD];
	_ =	sdelay $0x3  }
0x98: {  	_ =	strace s5  }
0x99: {  	_ =	strace $0x8FFFFFFF  }
0x9a: {  	s20 =	sld [smem:$0x3FDB];
	_ =	sdelay $0x1  }
0x9b: {  	s6 =	simm.s32 $_scs_section_size  }
0x9c: {  	s7 =	simm.s32 $_size__tile_overlayer_lowered;
	s8 =	simm.s32 $_tile_overlayer_lowered  }
0x9d: {  	s23 =	simm.s32 $0x1BFF;
	s22 =	sshll.u32 s8, $0x1;
	s5 =	sadd.s32 s6, s20  }
0x9e: {  	s9 =	simm.s32 $0x0;
	s21 =	sshll.u32 s7, $0x1;
	s7 =	sadd.s32 s22, s5  }
0x9f: {  	[timem:s9], [sflag:s23] =	dma.local [hbm:s7], s21  }
0xa0: {  	_ =	swait.ge [sflag:s23], s21  }
0xa1: {  	s6 =	ssub.s32 $0x0, s21;
	[sflag:s23] =	ssyncset.done $0x0  }
0xa2: {  	[sflag:s23] =	ssyncadd.s32 s6;
	_ =	sdelay $0x1  }
0xa3: {  	s24 =	simm.s32 $0x1B8B  }
0xa4: {  	_ =	swait.ge [sflag:s24], $0x1  }
0xa5: {  	[sflag:s24] =	ssyncset.done $0x0  }
0xa6: {  	s25 =	simm.s32 $0x1B8E;
	[sflag:s24] =	ssyncadd.s32 $0xFFFFFFFF  }
0xa7: {  	s26 =	simm.s32 $execute0_lowered;
	[smem:$0x3FD2] =	sst s25  }
0xa8: {  	s6 =	sshll.u32 s26, $0x1;
	_ =	strace $0x80000046;
	[dreg:$0x1] =	wrdreg $0xFFFFFFFF  }
0xa9: {  	s28 =	simm.s32 $_size_execute0_lowered;
	s5 =	sadd.s32 s5, s6;
	[dreg:$0x0] =	wrdreg $0x0  }
0xaa: {  	s6 =	sshll.u32 s28, $0x1;
	[dreg:$0x2] =	wrdreg s5  }
0xab: {  	[dreg:$0x3] =	wrdreg s6  }
0xac: {  	[dreg:$0x4] =	wrdreg $0xC0  }
0xad: {  	_ =	task [dreg:s9], $0x5FFFF  }
0xae: {  	[dreg:$0x1] =	wrdreg $0xFFFFFFFF  }
0xaf: {  	[dreg:$0x0] =	wrdreg $0x60  }
0xb0: {  	[dreg:$0x2] =	wrdreg s2  }
0xb1: {  	[dreg:$0x3] =	wrdreg s19  }
0xb2: {  	[dreg:$0x4] =	wrdreg s4  }
0xb3: {  	[dreg:$0x5] =	wrdreg $0x9  }
0xb4: {  	_ =	task.clear_ibuf [dreg:s9], $0x6FFFF;
	_ =	strace $0x90000046  }
0xb5: {  	s29 =	simm.s32 $0x9;
	_ =	strace $0x80000048  }
0xb6: {  	_ =	swait.ge [sflag:s29], $0x1  }
0xb7: {  	[sflag:s29] =	ssyncadd.s32 $0xFFFFFFFF  }
0xb8: {  	_ =	strace $0x90000048  }
0xb9: {  	_ =	sfence  }
0xba: {  	s30 =	sld [smem:$0x0];
	_ =	sdelay $0x2  }
0xbb: {  	s31 =	sshll.u32 s1, $0xD;
	s1 =	sshrl.u32 s1, $0x2  }
0xbc: {  	s3 =	sand.u32 $0x4000, s31;
	s1 =	sadd.s32 s1, s30  }
0xbd: {  	s0 =	sor.u32 s3, s0;
	s1 =	sshll.u32 s1, $0x11  }
0xbe: {  	s0 =	sor.u32 s1, s0  }
0xbf: {  	s0 =	sadd.s32 $0x8F2B, s0  }
0xc0: {  	[sflag:s0] =	ssyncadd.remote.s32 $0x1  }
0xc1: {  	_ =	sfence.sel $0xFFFF  }
0xc2: {  	[dreg:$0x0] =	wrdreg $0xFFFFFFFF;
	(pc) =	sbr.abs _section_cstart, $3  }
0xc3: {  	[dreg:$0x1] =	wrdreg $0xFFFFFFFF  }
0xc4: {  	_ =	task.clear_ibuf [dreg:s9], $0x2FFFF;
	_ =	strace $0x9FFFFFFF  }
0xc5: {  	(tm) =	ssettm $0x7FFFFFFF  }
tec
execute0_lowered:
.L_overlay_start_1:
0x0: {  	(tag) =	ssettag $0x1  }
0x1: {  	s0 =	rddreg [dreg:$0x0]  }
0x2: {  	s1 =	rddreg [dreg:$0x1]  }
0x3: {  	s2 =	srdreg.scid;
	s4 =	stileid.u32  }
0x4: {  	s8 =	rddreg [dreg:$0x2];
	s3 =	sand.u32 $0x1, s2;
	s26 =	sshll.u32 s4, $0x1  }
0x5: {  	s12 =	simm.s32 $0x1;
	s14 =	simm.s32 $0x2;
	s10 =	sor.u32 s3, s26  }
0x6: {  	s17 =	simm.s32 $0x0;
	s2 =	simm.s32 $0x0;
	s28 =	smul.u32 $0x140, s10  }
0x7: {  	s7 =	sadd.s32 $0x26C0, s1;
	s3 =	ssub.s32 $0x2, s3;
	s6 =	smul.u32 $0x280, s10  }
.Ltmp0:
0x8: {  	[smem:$0x7FF] =	sst s2;
	s5 =	sshrl.u32 s3, $0x1;
	(pc) =	sbr.rel .LBB2_1-.Ltmp0, $4  }
0x9: {  	_ =	strace $0x80000047;
	p0 =	seq.s32 s10, $0x1F;
	s29 =	sadd.s32 s0, s28  }
0xa: {  	s9 =	ssub.s32 s3, s5;
	s30 =	sadd.s32 s1, s28;
	[dreg:$0x4] =	wrdreg s29  }
0xb: {  	s31 =	sadd.s32 s8, s6;
	s6 =	sadd.s32 $0x26C0, s0;
	[dreg:$0x5] =	wrdreg s30  }
0xc: {  	v0 =	vimm.f32 $0.0e+00;
	s8 =	sadd.s32 $0x4D80, s8;
	s9 =	smax.u32 s9, $0x1;
	[dreg:$0x6] =	wrdreg s31  }
.LBB2_4:
0xd: {  	v14 =	vmul.f32 v14, v7  }
0xe: {  	[tilespmem:s0+$0x100] =	vst v15;
	v12 =	vmul.f32 v12, v8  }
0xf: {  	v15 =	vld [tilespmem:s29+$0x180];
	[tilespmem:s1+$0x100] =	vst v14  }
0x10: {  	[tilespmem:s11+$0x100] =	vst v12;
	v14 =	vld [tilespmem:s28+$0x180]  }
0x11: {  	v12 =	vld [tilespmem:s26+$0x180]  }
0x12: {  	v13 =	vmul.f32 v13, v5;
	_ =	sdelay $0x1  }
0x13: {  	[tilespmem:s30+$0x180] =	vst v13;
	v58 =	vmul.f32 v15, v6  }
0x14: {  	v59 =	vld [tilespmem:s25+$0xA00];
	v14 =	vmul.f32 v14, v7  }
0x15: {  	[tilespmem:s0+$0x180] =	vst v58;
	v12 =	vmul.f32 v12, v8  }
0x16: {  	v13 =	vld [tilespmem:s29+$0xA00];
	[tilespmem:s1+$0x180] =	vst v14  }
0x17: {  	[tilespmem:s11+$0x180] =	vst v12;
	v14 =	vld [tilespmem:s28+$0xA00]  }
0x18: {  	v12 =	vld [tilespmem:s26+$0xA00]  }
0x19: {  	v15 =	vmul.f32 v59, v5;
	_ =	sdelay $0x1  }
0x1a: {  	[tilespmem:s30+$0x200] =	vst v15;
	v13 =	vmul.f32 v13, v6  }
0x1b: {  	v15 =	vld [tilespmem:s25+$0xA80];
	v14 =	vmul.f32 v14, v7  }
0x1c: {  	[tilespmem:s0+$0x200] =	vst v13;
	v12 =	vmul.f32 v12, v8  }
0x1d: {  	v13 =	vld [tilespmem:s29+$0xA80];
	[tilespmem:s1+$0x200] =	vst v14  }
0x1e: {  	[tilespmem:s11+$0x200] =	vst v12;
	v14 =	vld [tilespmem:s28+$0xA80]  }
0x1f: {  	v12 =	vld [tilespmem:s26+$0xA80]  }
0x20: {  	v15 =	vmul.f32 v15, v5  }
0x21: {  	v16 =	vld [tilespmem:s20+$0xB00];
	[tilespmem:s22+$0x280] =	vst v11;
	v10 =	vmul.f32 v10, v4  }
0x22: {  	v11 =	vld [tilespmem:s24+$0xB00];
	[tilespmem:s30+$0x280] =	vst v15;
	v13 =	vmul.f32 v13, v6  }
0x23: {  	[tilespmem:s23+$0x280] =	vst v10;
	v60 =	vld [tilespmem:s25+$0xB00];
	v14 =	vmul.f32 v14, v7  }
0x24: {  	v61 =	vld [tilespmem:s19+$0xB00];
	[tilespmem:s0+$0x280] =	vst v13;
	v12 =	vmul.f32 v12, v8  }
0x25: {  	v1 =	vmul.f32 v9, v1;
	v62 =	vld [tilespmem:s29+$0xB00];
	[tilespmem:s1+$0x280] =	vst v14  }
0x26: {  	v2 =	vmul.f32 v16, v2;
	[tilespmem:s11+$0x280] =	vst v12;
	v63 =	vld [tilespmem:s28+$0xB00]  }
0x27: {  	[tilespmem:s18+$0x300] =	vst v1;
	v1 =	vmul.f32 v11, v3;
	v3 =	vld [tilespmem:s26+$0xB00]  }
0x28: {  	[tilespmem:s21+$0x300] =	vst v2;
	v2 =	vmul.f32 v60, v5  }
0x29: {  	[tilespmem:s22+$0x300] =	vst v1;
	v1 =	vmul.f32 v61, v4  }
0x2a: {  	[tilespmem:s30+$0x300] =	vst v2;
	v2 =	vmul.f32 v62, v6  }
0x2b: {  	[tilespmem:s23+$0x300] =	vst v1;
	v1 =	vmul.f32 v63, v7  }
0x2c: {  	[tilespmem:s0+$0x300] =	vst v2;
	v2 =	vmul.f32 v3, v8  }
0x2d: {  	[tilespmem:s1+$0x300] =	vst v1  }
0x2e: {  	[tilespmem:s11+$0x300] =	vst v2  }
0x2f: {  	s2 =	simm.s32 $0x0;
	s31 =	simm.s32 $0x1400;
	s0 =	rddreg [dreg:$0x6]  }
0x30: {  	[hbm4b:s0+s2] =	stream.linear.scatter [tilespmem:s31], [sflag:$0x2], $0x1400, $0x38;
	[tilespmem:$0x3800] =	vst v63  }
0x31: {  	_ =	swait.ge [sflag:s14], $0x1400  }
0x32: {  	[sflag:s14] =	ssyncset.done $0x0  }
0x33: {  	[sflag:s14] =	ssyncadd.s32 $0xFFFFEC00  }
.LBB2_9:
0x34: {  	s17 =	sadd.s32 $0x1, s17  }
0x35: {  	p1 =	sne.s32 s17, s9  }
.Ltmp1:
0x36: {  	_ = 	snop;
	(pc) =	sbr.rel @!p1 .LBB2_10-.Ltmp1, $1  }
0x37: {  	_ =	sdelay $0x3  }
.LBB2_1:
.Ltmp2:
0x38: {  	(pc) =	sbr.rel @!p0 .LBB2_2-.Ltmp2, $2  }
0x39: {  	_ =	sdelay $0x2  }
0x3a: {  	s0 =	simm.s32 $0x0  }
0x3b: {  	s1 =	simm.s32 $0x2800  }
0x3c: {  	[tilespmem:s1], [sflag:$0x1] =	stream.linear.gather [hbm4b:s6+s0], $0x400, $0x38;
	[tilespmem:$0x3800] =	vst v63  }
0x3d: {  	s31 =	simm.s32 $0x2C00  }
0x3e: {  	[tilespmem:s31], [sflag:$0x1] =	stream.linear.gather [hbm4b:s7+s0], $0x400, $0x38;
	[tilespmem:$0x3800] =	vst v63  }
0x3f: {  	_ =	swait.ge [sflag:s12], $0x400  }
0x40: {  	[sflag:s12] =	ssyncset.done $0x0  }
0x41: {  	[sflag:s12] =	ssyncadd.s32 $0xFFFFFC00  }
0x42: {  	_ =	swait.ge [sflag:s12], $0x400  }
0x43: {  	[sflag:s12] =	ssyncset.done $0x0  }
0x44: {  	p1 =	por $0x1, $0x1;
	[sflag:s12] =	ssyncadd.s32 $0xFFFFFC00  }
.LBB2_6:
0x45: {  	v1 =	vld [tilespmem:s0+$0x2C10]  }
0x46: {  	v2 =	vld [tilespmem:s0+$0x2810]  }
0x47: {  	v3 =	vld [tilespmem:s0+$0x2C20]  }
0x48: {  	v4 =	vld [tilespmem:s0+$0x2C30]  }
0x49: {  	v5 =	vld [tilespmem:s0+$0x2820]  }
0x4a: {  	v6 =	vld [tilespmem:s0+$0x2830]  }
0x4b: {  	v40 =	vld [tilespmem:s0+$0x2890]  }
0x4c: {  	v9 =	vld [tilespmem:s0+$0x28B0];
	vm0 =	vge.f32 v1, $5.000000000e-01  }
0x4d: {  	v45 =	vld [tilespmem:s0+$0x2910];
	vm13 =	vge.f32 v3, $5.000000000e-01;
	v7 =	vsel vm0, $0x3F800000, v0  }
0x4e: {  	v41 =	vld [tilespmem:s0+$0x28A0];
	v3 =	vsel vm13, $0x3F800000, v0;
	v2 =	vmul.f32 v7, v2  }
0x4f: {  	v61 =	vld [tilespmem:s0+$0x2D10];
	vm14 =	vge.f32 v4, $5.000000000e-01;
	v5 =	vmul.f32 v3, v5  }
0x50: {  	v1 =	vld [tilespmem:s0+$0x2C00];
	v8 =	vsel vm14, $0x3F800000, v0;
	v42 =	vmul.f32 v40, v7;
	[tilespmem:s0+$0x3010] =	vst v2  }
0x51: {  	v46 =	vld [tilespmem:s0+$0x2920];
	v44 =	vmul.f32 v9, v8;
	[tilespmem:s0+$0x3020] =	vst v5  }
0x52: {  	v39 =	vld [tilespmem:s0+$0x2800];
	v48 =	vmul.f32 v45, v7;
	[tilespmem:s0+$0x3090] =	vst v42  }
0x53: {  	v43 =	vld [tilespmem:s0+$0x2880];
	v2 =	vmul.f32 v8, v6;
	[tilespmem:s0+$0x30B0] =	vst v44  }
0x54: {  	v5 =	vmul.f32 v41, v3;
	[tilespmem:s0+$0x3110] =	vst v48  }
0x55: {  	v49 =	vld [tilespmem:s0+$0x2900];
	v63 =	vmul.f32 v61, v7;
	vm15 =	vge.f32 v1, $5.000000000e-01;
	[tilespmem:s0+$0x3030] =	vst v2  }
0x56: {  	v55 =	vld [tilespmem:s0+$0x2C20];
	v2 =	vsel vm15, $0x3F800000, v0;
	[tilespmem:s0+$0x30A0] =	vst v5;
	v5 =	vmul.f32 v46, v3  }
0x57: {  	v51 =	vld [tilespmem:s0+$0x29A0];
	[tilespmem:s0+$0x3310] =	vst v63;
	v4 =	vmul.f32 v2, v39  }
0x58: {  	v47 =	vld [tilespmem:s0+$0x2930];
	v6 =	vmul.f32 v43, v2;
	[tilespmem:s0+$0x3120] =	vst v5  }
0x59: {  	v50 =	vld [tilespmem:s0+$0x2990];
	v1 =	vmul.f32 v1, v2;
	[tilespmem:s0+$0x3000] =	vst v4  }
0x5a: {  	v53 =	vld [tilespmem:s0+$0x2980];
	v9 =	vmul.f32 v49, v2;
	[tilespmem:s0+$0x3080] =	vst v6  }
0x5b: {  	v57 =	vld [tilespmem:s0+$0x2C80];
	[tilespmem:s0+$0x3200] =	vst v1;
	v1 =	vmul.f32 v55, v3  }
0x5c: {  	v60 =	vld [tilespmem:s0+$0x2D00];
	v5 =	vmul.f32 v51, v3;
	[tilespmem:s0+$0x3100] =	vst v9  }
0x5d: {  	v4 =	vmul.f32 v47, v8;
	[tilespmem:s0+$0x3220] =	vst v1;
	v1 =	vld [tilespmem:s0+$0x2CA0]  }
0x5e: {  	v52 =	vld [tilespmem:s0+$0x29B0];
	v6 =	vmul.f32 v50, v7;
	[tilespmem:s0+$0x31A0] =	vst v5  }
0x5f: {  	v54 =	vld [tilespmem:s0+$0x2C10];
	v9 =	vmul.f32 v53, v2;
	[tilespmem:s0+$0x3130] =	vst v4  }
0x60: {  	v62 =	vld [tilespmem:s0+$0x2D30];
	v5 =	vmul.f32 v57, v2;
	[tilespmem:s0+$0x3190] =	vst v6  }
0x61: {  	v56 =	vld [tilespmem:s0+$0x2C30];
	v2 =	vmul.f32 v60, v2;
	[tilespmem:s0+$0x3180] =	vst v9  }
0x62: {  	v58 =	vld [tilespmem:s0+$0x2C90];
	[tilespmem:s0+$0x3280] =	vst v5;
	v1 =	vmul.f32 v1, v3  }
0x63: {  	v59 =	vld [tilespmem:s0+$0x2CB0];
	v4 =	vmul.f32 v52, v8;
	[tilespmem:s0+$0x3300] =	vst v2  }
0x64: {  	v6 =	vmul.f32 v54, v7;
	[tilespmem:s0+$0x32A0] =	vst v1;
	v1 =	vld [tilespmem:s0+$0x2D20]  }
0x65: {  	v2 =	vmul.f32 v62, v8;
	[tilespmem:s0+$0x31B0] =	vst v4  }
0x66: {  	p2 =	por p1, p1;
	[tilespmem:s0+$0x3210] =	vst v6;
	v4 =	vmul.f32 v56, v8  }
.Ltmp3:
0x67: {  	v6 =	vmul.f32 v58, v7;
	[tilespmem:s0+$0x3330] =	vst v2;
	(pc) =	sbr.rel @p2 .LBB2_6-.Ltmp3, $4  }
0x68: {  	[tilespmem:s0+$0x3230] =	vst v4;
	v4 =	vmul.f32 v59, v8  }
0x69: {  	[tilespmem:s0+$0x3290] =	vst v6;
	v1 =	vmul.f32 v1, v3  }
0x6a: {  	s1 =	simm.s32 $0x80;
	s10 =	simm.s32 $0x2E00;
	s11 =	simm.s32 $0x3700;
	[tilespmem:s0+$0x32B0] =	vst v4  }
0x6b: {  	s13 =	simm.s32 $0x2B80;
	p1 =	por $0x0, $0x0;
	[tilespmem:s0+$0x3320] =	vst v1;
	s0 =	simm.s32 $0x40  }
.LBB2_7:
0x6c: {  	v1 =	vld [tilespmem:s10+$0x0];
	_ =	sdelay $0x1  }
0x6d: {  	v2 =	vld [tilespmem:s13+$0xFFFFFE80];
	_ =	sdelay $0x2  }
0x6e: {  	vm0 =	vge.f32 v1, $5.000000000e-01  }
0x6f: {  	v1 =	vsel vm0, $0x3F800000, v0  }
0x70: {  	v2 =	vmul.f32 v1, v2;
	_ =	sdelay $0x1  }
0x71: {  	s0 =	sor.u32 $0x280, s1;
	[tilespmem:s11+$0xFFFFFD00] =	vst v2  }
0x72: {  	v2 =	vld [tilespmem:s0+$0x2800];
	_ =	sdelay $0x4  }
0x73: {  	v2 =	vmul.f32 v2, v1;
	_ =	sdelay $0x1  }
0x74: {  	[tilespmem:s11+$0xFFFFFD80] =	vst v2  }
0x75: {  	v2 =	vld [tilespmem:s13+$0xFFFFFF80];
	_ =	sdelay $0x4  }
0x76: {  	v2 =	vmul.f32 v2, v1;
	_ =	sdelay $0x1  }
0x77: {  	[tilespmem:s11+$0xFFFFFE00] =	vst v2  }
0x78: {  	v2 =	vld [tilespmem:s13+$0x0];
	_ =	sdelay $0x4  }
0x79: {  	v2 =	vmul.f32 v2, v1;
	_ =	sdelay $0x1  }
0x7a: {  	[tilespmem:s11+$0xFFFFFE80] =	vst v2  }
0x7b: {  	v2 =	vld [tilespmem:s10+$0x0];
	_ =	sdelay $0x4  }
0x7c: {  	v2 =	vmul.f32 v2, v1;
	_ =	sdelay $0x1  }
0x7d: {  	[tilespmem:s11+$0xFFFFFF00] =	vst v2  }
0x7e: {  	v2 =	vld [tilespmem:s0+$0x2C00];
	_ =	sdelay $0x4  }
0x7f: {  	v2 =	vmul.f32 v2, v1;
	_ =	sdelay $0x1  }
0x80: {  	[tilespmem:s11+$0xFFFFFF80] =	vst v2  }
0x81: {  	v2 =	vld [tilespmem:s10+$0x100];
	_ =	sdelay $0x1  }
0x82: {  	p1 =	sne.s32 s1, $0x90  }
.Ltmp4:
0x83: {  	_ = 	snop;
	(pc) =	sbr.rel @p1 .LBB2_7-.Ltmp4, $4  }
0x84: {  	_ = 	snop  }
0x85: {  	v1 =	vmul.f32 v2, v1  }
0x86: {  	s1 =	sadd.s32 $0x10, s1  }
0x87: {  	s13 =	sadd.s32 $0x10, s13;
	s10 =	sadd.s32 $0x10, s10;
	[tilespmem:s11+$0x0] =	vst v1;
	s11 =	sadd.s32 $0x10, s11  }
.Ltmp5:
0x88: {  	s0 =	simm.s32 $0x3000;
	(pc) =	sbr.rel .LBB2_9-.Ltmp5, $4  }
0x89: {  	[hbm4b:s8+s2] =	stream.linear.scatter [tilespmem:s0], [sflag:$0x2], $0x800, $0x38;
	[tilespmem:$0x3800] =	vst v63  }
0x8a: {  	_ =	swait.ge [sflag:s14], $0x800  }
0x8b: {  	[sflag:s14] =	ssyncset.done $0x0  }
0x8c: {  	[sflag:s14] =	ssyncadd.s32 $0xFFFFF800  }
.LBB2_2:
0x8d: {  	s1 =	rddreg [dreg:$0x4]  }
0x8e: {  	[tilespmem:s0], [sflag:$0x1] =	stream.linear.gather [hbm4b:s1+s0], $0xA00, $0x38;
	[tilespmem:$0x3800] =	vst v63  }
0x8f: {  	s20 =	rddreg [dreg:$0x5];
	s2 =	simm.s32 $0xA00  }
0x90: {  	[tilespmem:s2], [sflag:$0x1] =	stream.linear.gather [hbm4b:s20+s0], $0xA00, $0x38;
	[tilespmem:$0x3800] =	vst v63  }
0x91: {  	_ =	swait.ge [sflag:s12], $0xA00  }
0x92: {  	[sflag:s12] =	ssyncset.done $0x0  }
0x93: {  	[sflag:s12] =	ssyncadd.s32 $0xFFFFF600  }
0x94: {  	s21 =	sand.u32 $0x40, s0;
	s22 =	simm.s32 $0x0;
	_ =	swait.ge [sflag:s12], $0xA00  }
0x95: {  	s1 =	sand.u32 $0xFFFFFE00, s22;
	s11 =	sor.u32 $0x30, s21;
	[sflag:s12] =	ssyncset.done $0x0  }
0x96: {  	s28 =	sor.u32 s1, s11;
	[sflag:s12] =	ssyncadd.s32 $0xFFFFF600  }
0x97: {  	s26 =	sor.u32 s21, s1;
	v1 =	vld [tilespmem:s28+$0xA00]  }
0x98: {  	s13 =	sor.u32 $0x10, s21;
	v2 =	vld [tilespmem:s26+$0xA00]  }
0x99: {  	s25 =	sor.u32 s1, s13;
	v3 =	vld [tilespmem:s28+$0x0]  }
0x9a: {  	v4 =	vld [tilespmem:s25+$0xA00]  }
0x9b: {  	v8 =	vld [tilespmem:s26+$0x0]  }
0x9c: {  	s16 =	simm.s32 $0x0;
	v9 =	vld [tilespmem:s25+$0x0];
	vm0 =	vge.f32 v1, $5.000000000e-01  }
0x9d: {  	s23 =	sand.u32 $0x3FFFFC00, s16;
	v7 =	vsel vm0, $0x3F800000, v0  }
0x9e: {  	s15 =	sor.u32 $0x20, s21;
	s16 =	sadd.s32 $0x1400, s23;
	vm1 =	vge.f32 v2, $5.000000000e-01;
	v2 =	vmul.f32 v7, v3  }
0x9f: {  	s10 =	sor.u32 s1, s15;
	s11 =	sor.u32 s11, s16;
	vm6 =	vge.f32 v4, $5.000000000e-01;
	v5 =	vsel vm1, $0x3F800000, v0  }
0xa0: {  	v1 =	vld [tilespmem:s10+$0xA00];
	v6 =	vsel vm6, $0x3F800000, v0;
	v3 =	vmul.f32 v5, v8;
	[tilespmem:s11+$0x0] =	vst v2  }
0xa1: {  	s0 =	sor.u32 s21, s16;
	v2 =	vmul.f32 v6, v9;
	v8 =	vld [tilespmem:s28+$0x80]  }
0xa2: {  	s1 =	sor.u32 s13, s16;
	v4 =	vld [tilespmem:s10+$0x0];
	[tilespmem:s0+$0x0] =	vst v3  }
0xa3: {  	v3 =	vld [tilespmem:s26+$0x80];
	[tilespmem:s1+$0x0] =	vst v2  }
0xa4: {  	v2 =	vld [tilespmem:s25+$0x80]  }
0xa5: {  	vm7 =	vge.f32 v1, $5.000000000e-01  }
0xa6: {  	v1 =	vsel vm7, $0x3F800000, v0;
	v8 =	vmul.f32 v8, v7  }
0xa7: {  	v4 =	vmul.f32 v1, v4  }
0xa8: {  	s18 =	sor.u32 s15, s16;
	v3 =	vmul.f32 v3, v5;
	[tilespmem:s11+$0x80] =	vst v8  }
0xa9: {  	[tilespmem:s18+$0x0] =	vst v4;
	v2 =	vmul.f32 v2, v6;
	v8 =	vld [tilespmem:s28+$0x100]  }
0xaa: {  	s24 =	simm.s32 $0x40;
	s3 =	simm.s32 $0x100;
	v4 =	vld [tilespmem:s10+$0x80];
	[tilespmem:s0+$0x80] =	vst v3  }
0xab: {  	s4 =	sand.u32 $0xFFFFFE00, s3;
	s2 =	sand.u32 $0x40, s24;
	v3 =	vld [tilespmem:s26+$0x100];
	[tilespmem:s1+$0x80] =	vst v2  }
0xac: {  	s21 =	sor.u32 $0x30, s2;
	s20 =	sor.u32 s2, s4;
	v2 =	vld [tilespmem:s25+$0x100]  }
0xad: {  	s13 =	sor.u32 s4, s21;
	v10 =	vld [tilespmem:s20+$0xA00]  }
0xae: {  	s22 =	sor.u32 $0x10, s2;
	v9 =	vld [tilespmem:s13+$0xA00];
	v8 =	vmul.f32 v8, v7  }
0xaf: {  	s24 =	sor.u32 s4, s22;
	v11 =	vld [tilespmem:s13+$0x0];
	v4 =	vmul.f32 v4, v1  }
0xb0: {  	v12 =	vld [tilespmem:s24+$0xA00];
	v3 =	vmul.f32 v3, v5;
	[tilespmem:s11+$0x100] =	vst v8  }
0xb1: {  	[tilespmem:s18+$0x80] =	vst v4;
	v2 =	vmul.f32 v2, v6;
	v8 =	vld [tilespmem:s28+$0x180]  }
0xb2: {  	v4 =	vld [tilespmem:s10+$0x100];
	[tilespmem:s0+$0x100] =	vst v3  }
0xb3: {  	s5 =	simm.s32 $0x200;
	s23 =	sor.u32 $0x20, s2;
	vm8 =	vge.f32 v9, $5.000000000e-01;
	v3 =	vld [tilespmem:s26+$0x180];
	[tilespmem:s1+$0x100] =	vst v2  }
0xb4: {  	s15 =	sand.u32 $0x3FFFFC00, s5;
	s19 =	sor.u32 s4, s23;
	v9 =	vsel vm8, $0x3F800000, v0;
	v2 =	vld [tilespmem:s25+$0x180]  }
0xb5: {  	s29 =	sadd.s32 $0x1400, s15;
	v13 =	vld [tilespmem:s19+$0xA00];
	v11 =	vmul.f32 v9, v11  }
0xb6: {  	s15 =	sor.u32 s21, s29;
	v14 =	vld [tilespmem:s20+$0x0];
	v8 =	vmul.f32 v8, v7  }
0xb7: {  	vm9 =	vge.f32 v10, $5.000000000e-01;
	v10 =	vld [tilespmem:s19+$0x0];
	[tilespmem:s15+$0x0] =	vst v11;
	v4 =	vmul.f32 v4, v1  }
0xb8: {  	v3 =	vmul.f32 v3, v5;
	[tilespmem:s11+$0x180] =	vst v8;
	v8 =	vld [tilespmem:s24+$0x0]  }
0xb9: {  	[tilespmem:s18+$0x100] =	vst v4;
	v4 =	vmul.f32 v2, v6;
	v15 =	vld [tilespmem:s28+$0xA00]  }
0xba: {  	vm10 =	vge.f32 v12, $5.000000000e-01;
	vm11 =	vge.f32 v13, $5.000000000e-01;
	v12 =	vld [tilespmem:s13+$0x80];
	v2 =	vsel vm9, $0x3F800000, v0;
	[tilespmem:s0+$0x180] =	vst v3  }
0xbb: {  	v11 =	vld [tilespmem:s10+$0x180];
	v14 =	vmul.f32 v2, v14;
	[tilespmem:s1+$0x180] =	vst v4;
	v4 =	vsel vm11, $0x3F800000, v0  }
0xbc: {  	s21 =	sor.u32 s2, s29;
	v3 =	vsel vm10, $0x3F800000, v0;
	v13 =	vld [tilespmem:s26+$0xA00];
	v10 =	vmul.f32 v4, v10  }
0xbd: {  	s23 =	sor.u32 s23, s29;
	[tilespmem:s21+$0x0] =	vst v14;
	v14 =	vld [tilespmem:s25+$0xA00];
	v8 =	vmul.f32 v3, v8  }
0xbe: {  	s22 =	sor.u32 s22, s29;
	v16 =	vld [tilespmem:s20+$0x80];
	[tilespmem:s23+$0x0] =	vst v10;
	v15 =	vmul.f32 v15, v7  }
0xbf: {  	v10 =	vmul.f32 v12, v9;
	v12 =	vld [tilespmem:s19+$0x80];
	[tilespmem:s22+$0x0] =	vst v8  }
0xc0: {  	v8 =	vmul.f32 v11, v1;
	[tilespmem:s11+$0x200] =	vst v15;
	v11 =	vld [tilespmem:s24+$0x80]  }
0xc1: {  	v15 =	vld [tilespmem:s28+$0xA80]  }
0xc2: {  	[tilespmem:s18+$0x180] =	vst v8;
	v8 =	vmul.f32 v13, v5  }
0xc3: {  	[tilespmem:s15+$0x80] =	vst v10;
	v13 =	vmul.f32 v14, v6;
	v10 =	vld [tilespmem:s10+$0xA00]  }
0xc4: {  	v14 =	vld [tilespmem:s13+$0x100];
	v16 =	vmul.f32 v16, v2;
	[tilespmem:s0+$0x200] =	vst v8  }
0xc5: {  	[tilespmem:s1+$0x200] =	vst v13;
	v8 =	vmul.f32 v11, v3;
	v11 =	vld [tilespmem:s26+$0xA80]  }
0xc6: {  	[tilespmem:s21+$0x80] =	vst v16;
	v12 =	vmul.f32 v12, v4;
	v13 =	vmul.f32 v15, v7;
	v15 =	vld [tilespmem:s25+$0xA80]  }
0xc7: {  	v16 =	vld [tilespmem:s20+$0x100];
	[tilespmem:s22+$0x80] =	vst v8  }
0xc8: {  	[tilespmem:s23+$0x80] =	vst v12;
	v8 =	vmul.f32 v10, v1;
	v10 =	vld [tilespmem:s24+$0x100]  }
0xc9: {  	v12 =	vmul.f32 v14, v9;
	v14 =	vld [tilespmem:s19+$0x100];
	[tilespmem:s11+$0x280] =	vst v13  }
0xca: {  	v13 =	vld [tilespmem:s28+$0xB00];
	[tilespmem:s18+$0x200] =	vst v8;
	v8 =	vmul.f32 v11, v5  }
0xcb: {  	[tilespmem:s15+$0x100] =	vst v12;
	v11 =	vld [tilespmem:s10+$0xA80];
	v12 =	vmul.f32 v15, v6  }
0xcc: {  	s31 =	simm.s32 $0x80;
	v15 =	vmul.f32 v16, v2;
	v16 =	vld [tilespmem:s13+$0x180];
	[tilespmem:s0+$0x280] =	vst v8  }
0xcd: {  	s3 =	simm.s32 $0x200;
	s2 =	sand.u32 $0x40, s31;
	v8 =	vmul.f32 v10, v3;
	v10 =	vld [tilespmem:s26+$0xB00];
	[tilespmem:s1+$0x280] =	vst v12  }
0xce: {  	s30 =	sor.u32 $0x30, s2;
	[tilespmem:s21+$0x100] =	vst v15;
	s26 =	sand.u32 $0xFFFFFE00, s3;
	v12 =	vld [tilespmem:s25+$0xB00]  }
0xcf: {  	v15 =	vld [tilespmem:s20+$0x180];
	s25 =	sor.u32 s26, s30  }
0xd0: {  	v14 =	vmul.f32 v14, v4;
	s29 =	sor.u32 s2, s26;
	v17 =	vld [tilespmem:s25+$0xA00]  }
0xd1: {  	s4 =	sor.u32 $0x10, s2;
	s3 =	sor.u32 $0x20, s2;
	v18 =	vld [tilespmem:s29+$0xA00];
	v16 =	vmul.f32 v16, v9  }
0xd2: {  	[tilespmem:s23+$0x100] =	vst v14;
	v7 =	vmul.f32 v13, v7;
	s28 =	sor.u32 s26, s4;
	s26 =	sor.u32 s26, s3;
	v13 =	vld [tilespmem:s25+$0x0]  }
0xd3: {  	v14 =	vld [tilespmem:s26+$0xA00];
	[tilespmem:s15+$0x180] =	vst v16  }
0xd4: {  	[tilespmem:s22+$0x100] =	vst v8;
	v16 =	vld [tilespmem:s13+$0xA00]  }
0xd5: {  	v8 =	vld [tilespmem:s24+$0x180];
	[tilespmem:s11+$0x300] =	vst v7;
	v7 =	vmul.f32 v11, v1  }
0xd6: {  	s5 =	simm.s32 $0x400;
	v11 =	vld [tilespmem:s28+$0xA00];
	v10 =	vmul.f32 v10, v5;
	vm12 =	vge.f32 v17, $5.000000000e-01  }
0xd7: {  	s11 =	sand.u32 $0x3FFFFC00, s5;
	[tilespmem:s18+$0x280] =	vst v7;
	v6 =	vmul.f32 v12, v6;
	v12 =	vld [tilespmem:s29+$0x0];
	v5 =	vsel vm12, $0x3F800000, v0  }
0xd8: {  	s11 =	sadd.s32 $0x1400, s11;
	[tilespmem:s0+$0x300] =	vst v10;
	v10 =	vld [tilespmem:s28+$0x0];
	v7 =	vmul.f32 v5, v13  }
0xd9: {  	s30 =	sor.u32 s30, s11;
	[tilespmem:s1+$0x300] =	vst v6;
	v13 =	vld [tilespmem:s26+$0x0];
	v16 =	vmul.f32 v16, v9  }
0xda: {  	v15 =	vmul.f32 v15, v2;
	vm13 =	vge.f32 v18, $5.000000000e-01;
	v17 =	vld [tilespmem:s19+$0x180];
	[tilespmem:s30+$0x0] =	vst v7  }
0xdb: {  	v8 =	vmul.f32 v8, v3;
	v6 =	vsel vm13, $0x3F800000, v0;
	vm14 =	vge.f32 v11, $5.000000000e-01;
	v11 =	vld [tilespmem:s25+$0x80];
	[tilespmem:s15+$0x200] =	vst v16  }
0xdc: {  	vm15 =	vge.f32 v14, $5.000000000e-01;
	[tilespmem:s21+$0x180] =	vst v15;
	v7 =	vsel vm14, $0x3F800000, v0;
	v12 =	vmul.f32 v6, v12;
	v14 =	vld [tilespmem:s13+$0xA80]  }
0xdd: {  	s0 =	sor.u32 s2, s11;
	v15 =	vld [tilespmem:s20+$0xA00];
	[tilespmem:s22+$0x180] =	vst v8;
	v8 =	vsel vm15, $0x3F800000, v0;
	v10 =	vmul.f32 v7, v10  }
0xde: {  	s1 =	sor.u32 s4, s11;
	[tilespmem:s0+$0x0] =	vst v12;
	v12 =	vmul.f32 v8, v13;
	v13 =	vld [tilespmem:s24+$0xA00]  }
0xdf: {  	s11 =	sor.u32 s3, s11;
	v16 =	vld [tilespmem:s29+$0x80];
	[tilespmem:s1+$0x0] =	vst v10;
	v10 =	vmul.f32 v17, v4  }
0xe0: {  	v17 =	vld [tilespmem:s28+$0x80];
	[tilespmem:s11+$0x0] =	vst v12;
	v11 =	vmul.f32 v11, v5  }
0xe1: {  	[tilespmem:s23+$0x180] =	vst v10;
	v12 =	vld [tilespmem:s26+$0x80];
	v10 =	vmul.f32 v14, v9  }
0xe2: {  	[tilespmem:s30+$0x80] =	vst v11;
	v11 =	vmul.f32 v15, v2;
	v14 =	vld [tilespmem:s19+$0xA00]  }
0xe3: {  	v13 =	vmul.f32 v13, v3;
	v15 =	vld [tilespmem:s25+$0x100];
	[tilespmem:s15+$0x280] =	vst v10  }
0xe4: {  	v10 =	vmul.f32 v16, v6;
	[tilespmem:s21+$0x200] =	vst v11;
	v11 =	vld [tilespmem:s13+$0xB00]  }
0xe5: {  	v16 =	vmul.f32 v17, v7;
	[tilespmem:s22+$0x200] =	vst v13;
	v17 =	vld [tilespmem:s20+$0xA80]  }
0xe6: {  	v13 =	vld [tilespmem:s24+$0xA80];
	[tilespmem:s0+$0x80] =	vst v10;
	v10 =	vmul.f32 v12, v8  }
0xe7: {  	[tilespmem:s1+$0x80] =	vst v16;
	v63 =	vld [tilespmem:s29+$0x100];
	v16 =	vmul.f32 v14, v4  }
0xe8: {  	v14 =	vld [tilespmem:s28+$0x100];
	[tilespmem:s11+$0x80] =	vst v10;
	v10 =	vmul.f32 v15, v5  }
0xe9: {  	v12 =	vld [tilespmem:s26+$0x100];
	[tilespmem:s23+$0x200] =	vst v16;
	v9 =	vmul.f32 v11, v9  }
0xea: {  	[tilespmem:s30+$0x100] =	vst v10;
	v16 =	vmul.f32 v17, v2;
	v10 =	vld [tilespmem:s19+$0xA80]  }
0xeb: {  	v11 =	vmul.f32 v13, v3;
	[tilespmem:s15+$0x300] =	vst v9;
	v9 =	vld [tilespmem:s10+$0xB00]  }
0xec: {  	v13 =	vld [tilespmem:s25+$0x180];
	s10 =	simm.s32 $0x8;
	v15 =	vmul.f32 v63, v6;
	[tilespmem:s21+$0x280] =	vst v16  }
.LBB2_3:
0xed: {  	s10 =	sadd.s32 $0x4, s10;
	v14 =	vmul.f32 v14, v7;
	s31 =	sadd.s32 $0x40, s31;
	v16 =	vld [tilespmem:s20+$0xB00];
	[tilespmem:s22+$0x280] =	vst v11;
	s20 =	smov.u32 s29  }
0xee: {  	v11 =	vmul.f32 v12, v8;
	s16 =	sand.u32 $0x40, s31;
	s2 =	sshll.u32 s10, $0x6;
	p1 =	slt.u32 s10, $0x24;
	[tilespmem:s0+$0x100] =	vst v15;
	v12 =	vld [tilespmem:s24+$0xB00]  }
0xef: {  	v10 =	vmul.f32 v10, v4;
	s2 =	sand.u32 $0xFFFFFE00, s2;
	s3 =	sor.u32 $0x10, s16;
	s4 =	sor.u32 $0x30, s16;
	v15 =	vld [tilespmem:s20+$0x180];
	[tilespmem:s1+$0x100] =	vst v14  }
0xf0: {  	v9 =	vmul.f32 v9, v1;
	v1 =	vmov v4;
	v4 =	vmov v8;
	s5 =	sor.u32 $0x20, s16;
	s29 =	sor.u32 s16, s2;
	s15 =	sor.u32 s2, s4;
	v14 =	vld [tilespmem:s28+$0x180];
	[tilespmem:s11+$0x100] =	vst v11  }
0xf1: {  	s24 =	smov.u32 s28;
	s13 =	sor.u32 s2, s5;
	v11 =	vmul.f32 v13, v5;
	s28 =	sor.u32 s2, s3;
	v8 =	vld [tilespmem:s15+$0xA00];
	[tilespmem:s23+$0x280] =	vst v10  }
0xf2: {  	v10 =	vld [tilespmem:s29+$0xA00];
	v13 =	vmul.f32 v16, v2;
	[tilespmem:s18+$0x300] =	vst v9;
	v2 =	vmov v6;
	s18 =	smov.u32 s23;
	s23 =	smov.u32 s11  }
0xf3: {  	v9 =	vld [tilespmem:s15+$0x0];
	[tilespmem:s30+$0x180] =	vst v11;
	v6 =	vmul.f32 v12, v3;
	v3 =	vmov v7  }
0xf4: {  	v7 =	vmul.f32 v15, v2;
	v11 =	vld [tilespmem:s25+$0xA00];
	[tilespmem:s21+$0x300] =	vst v13;
	s21 =	smov.u32 s0  }
0xf5: {  	v12 =	vld [tilespmem:s28+$0xA00];
	v13 =	vmul.f32 v14, v3;
	[tilespmem:s22+$0x300] =	vst v6;
	s22 =	smov.u32 s1  }
0xf6: {  	s0 =	sshll.u32 s10, $0x7;
	v14 =	vld [tilespmem:s13+$0xA00];
	vm0 =	vge.f32 v8, $5.000000000e-01;
	[tilespmem:s21+$0x180] =	vst v7  }
0xf7: {  	s0 =	sand.u32 $0x3FFFFC00, s0;
	vm1 =	vge.f32 v10, $5.000000000e-01;
	v8 =	vld [tilespmem:s29+$0x0];
	v10 =	vsel vm0, $0x3F800000, v0;
	[tilespmem:s22+$0x180] =	vst v13  }
0xf8: {  	s2 =	sadd.s32 $0x1400, s0;
	v6 =	vsel vm1, $0x3F800000, v0;
	v13 =	vld [tilespmem:s28+$0x0];
	v7 =	vmul.f32 v10, v9  }
0xf9: {  	s0 =	sor.u32 s16, s2;
	s1 =	sor.u32 s3, s2;
	s16 =	sor.u32 s4, s2;
	v9 =	vld [tilespmem:s13+$0x0];
	v11 =	vmul.f32 v11, v5  }
0xfa: {  	s11 =	sor.u32 s5, s2;
	vm0 =	vge.f32 v12, $5.000000000e-01;
	[tilespmem:s16+$0x0] =	vst v7;
	v12 =	vld [tilespmem:s26+$0x180]  }
0xfb: {  	v7 =	vsel vm0, $0x3F800000, v0;
	vm0 =	vge.f32 v14, $5.000000000e-01;
	v14 =	vld [tilespmem:s15+$0x80];
	[tilespmem:s30+$0x200] =	vst v11  }
0xfc: {  	v11 =	vmul.f32 v6, v8;
	v8 =	vsel vm0, $0x3F800000, v0;
	v15 =	vld [tilespmem:s25+$0xA80]  }
0xfd: {  	v13 =	vmul.f32 v7, v13;
	v16 =	vld [tilespmem:s20+$0xA00]  }
0xfe: {  	[tilespmem:s0+$0x0] =	vst v11;
	v9 =	vmul.f32 v8, v9;
	v11 =	vld [tilespmem:s24+$0xA00]  }
0xff: {  	v17 =	vld [tilespmem:s29+$0x80];
	[tilespmem:s1+$0x0] =	vst v13;
	v12 =	vmul.f32 v12, v4  }
0x100: {  	v13 =	vld [tilespmem:s28+$0x80];
	[tilespmem:s11+$0x0] =	vst v9;
	v9 =	vmul.f32 v14, v10  }
0x101: {  	v14 =	vld [tilespmem:s13+$0x80];
	[tilespmem:s23+$0x180] =	vst v12;
	v12 =	vmul.f32 v15, v5  }
0x102: {  	[tilespmem:s16+$0x80] =	vst v9;
	v9 =	vmul.f32 v16, v2;
	v15 =	vld [tilespmem:s26+$0xA00]  }
0x103: {  	v16 =	vld [tilespmem:s15+$0x100];
	v11 =	vmul.f32 v11, v3;
	[tilespmem:s30+$0x280] =	vst v12  }
0x104: {  	v12 =	vmul.f32 v17, v6;
	[tilespmem:s21+$0x200] =	vst v9;
	v9 =	vld [tilespmem:s25+$0xB00];
	s25 =	smov.u32 s15  }
0x105: {  	v13 =	vmul.f32 v13, v7;
	v17 =	vld [tilespmem:s20+$0xA80];
	[tilespmem:s22+$0x200] =	vst v11  }
0x106: {  	[tilespmem:s0+$0x80] =	vst v12;
	v11 =	vmul.f32 v14, v8;
	v18 =	vld [tilespmem:s24+$0xA80]  }
0x107: {  	v19 =	vld [tilespmem:s29+$0x100];
	[tilespmem:s1+$0x80] =	vst v13;
	v13 =	vmul.f32 v15, v4  }
.Ltmp6:
0x108: {  	v14 =	vld [tilespmem:s28+$0x100];
	[tilespmem:s11+$0x80] =	vst v11;
	v11 =	vmul.f32 v16, v10;
	(pc) =	sbr.rel @p1 .LBB2_3-.Ltmp6, $4  }
0x109: {  	v12 =	vld [tilespmem:s13+$0x100];
	[tilespmem:s23+$0x200] =	vst v13;
	v9 =	vmul.f32 v9, v5;
	v5 =	vmov v10  }
0x10a: {  	[tilespmem:s16+$0x100] =	vst v11;
	v16 =	vmul.f32 v17, v2;
	v10 =	vld [tilespmem:s26+$0xA80]  }
0x10b: {  	v11 =	vmul.f32 v18, v3;
	[tilespmem:s30+$0x300] =	vst v9;
	v9 =	vld [tilespmem:s19+$0xB00];
	s19 =	smov.u32 s26;
	s26 =	smov.u32 s13;
	s30 =	smov.u32 s16  }
0x10c: {  	v15 =	vmul.f32 v19, v6;
	v13 =	vld [tilespmem:s25+$0x180];
	[tilespmem:s21+$0x280] =	vst v16  }
.Ltmp7:
0x10d: {  	_ = 	snop;
	(pc) =	sbr.rel .LBB2_4-.Ltmp7, $1  }
0x10e: {  	_ =	sdelay $0x3  }
.LBB2_10:
0x10f: {  	_ =	sfence.sel $0x180000  }
0x110: {  	[bflag:$0x0] =	sbarrier.arrive $0xFFFF  }
0x111: {  	_ =	strace $0x90000047  }
0x112: {  	s0 =	stileid.u32;
	[bflag:$0x2] =	sbarrier.arrive $0xFFFF  }
0x113: {  	p0 =	sne.s32 s0, $0x0;
	s0 =	rddreg [dreg:$0x3]  }
0x114: {  	s0 =	sadd.s32 @!p0 $0x100000, s0  }
0x115: {  	[sflag:s0] =	ssyncadd.tile.s32 @!p0 $0x1;
	_ =	shalt  }
.Lfunc_end2:
_tile_overlayer_lowered:
.L_overlay_start_2:
0x116: {  	(tag) =	ssettag $0x2  }
0x117: {  	s0 =	rddreg [dreg:$0x0];
	s2 =	stileid.u32  }
0x118: {  	s1 =	rddreg [dreg:$0x1];
	p0 =	sne.s32 s2, $0x0  }
0x119: {  	s3 =	rddreg [dreg:$0x2];
	[bflag:$0x3] =	sbarrier.arrive $0xFFFF;
	s2 =	simm.s32 @!p0 $0x1C02  }
0x11a: {  	[timem:s3], [sflag:s2] =	dma.local @!p0 [hbm:s0], s1  }
0x11b: {  	s0 =	simm.s32 @!p0 $0x2  }
0x11c: {  	_ =	swait.ge @!p0 [sflag:s0], s1  }
0x11d: {  	s1 =	ssub.s32 @!p0 $0x0, s1;
	[sflag:s0] =	ssyncset.done @!p0 $0x0  }
0x11e: {  	[sflag:s0] =	ssyncadd.s32 @!p0 s1  }
0x11f: {  	[bflag:$0x3] =	sbarrier.arrive $0xFFFF  }
0x120: {  	_ =	shalt  }

</sc_bundles>
